<compile_context>
chip_gen: v7x
topology: tpu7x:2x2x1
jax: 0.10.2.dev20260603
libtpu: 0.0.44.dev20260713+nightly
codegen_flags: <defaults>
</compile_context>

<pallas_src>
import functools


import jax
import jax.numpy as jnp
from jax.experimental import pallas as pl
from jax.experimental.pallas import tpu as pltpu
from jax.experimental.pallas import tpu_sc as plsc
from jax.experimental.pallas import tpu as pltpu
from jax.experimental.pallas import tpu_sc as plsc

_N = 32768
_D = 768
_E = 64
_TOP_K = 8
_TEMP = 1.0

_BLOCK = 1024

_NC = 2
_NS = 16
_NW = _NC * _NS
_TPW = _N // _NW
_LANES = 16


def _router_body(x_ref, w_ref, scores_ref, weights_ref, idx_ref):
    x = x_ref[...]
    w = w_ref[...]
    s = jax.lax.dot_general(
        x, w, (((1,), (1,)), ((), ())), preferred_element_type=jnp.float32
    )
    scores_ref[...] = s
    st = jax.lax.dot_general(
        w, x, (((1,), (1,)), ((), ())), preferred_element_type=jnp.float32
    )

    expert = jax.lax.broadcasted_iota(jnp.int32, st.shape, 0)
    vals = []
    idxs = []
    for _ in range(_TOP_K):
        top_idx = jnp.argmax(st, axis=0)
        top_val = jnp.max(st, axis=0)
        vals.append(top_val[None, :])
        idxs.append(top_idx[None, :])
        st = jnp.where(expert == top_idx[None, :], -jnp.inf, st)

    top_vals = jnp.concatenate(vals, axis=0)
    top_idxs = jnp.concatenate(idxs, axis=0)
    e = jnp.exp((top_vals - top_vals[0:1, :]) / _TEMP)
    weights_ref[...] = e / jnp.sum(e, axis=0, keepdims=True)
    idx_ref[...] = top_idxs


def _sc_untranspose_body(wt_hbm, it_hbm, w_out_hbm, i_out_hbm, w_out, i_out, sem):
    c = jax.lax.axis_index("c")
    s = jax.lax.axis_index("s")
    wid = s * _NC + c
    base = wid * _TPW
    copies = []
    for k in range(_TOP_K):
        copies.append(
            pltpu.async_copy(wt_hbm.at[k, pl.ds(base, _TPW)], w_out.at[:, k], sem)
        )
        copies.append(
            pltpu.async_copy(it_hbm.at[k, pl.ds(base, _TPW)], i_out.at[:, k], sem)
        )
    for cp in copies:
        cp.wait()
    pltpu.sync_copy(w_out, w_out_hbm.at[pl.ds(base, _TPW)])
    pltpu.sync_copy(i_out, i_out_hbm.at[pl.ds(base, _TPW)])


@functools.partial(
    pl.kernel,
    out_type=(
        jax.ShapeDtypeStruct((_N, _TOP_K), jnp.float32),
        jax.ShapeDtypeStruct((_N, _TOP_K), jnp.int32),
    ),
    mesh=plsc.VectorSubcoreMesh(core_axis_name="c", subcore_axis_name="s"),
    compiler_params=pltpu.CompilerParams(needs_layout_passes=False),
    scratch_types=[
        pltpu.VMEM((_TPW, _TOP_K), jnp.float32),
        pltpu.VMEM((_TPW, _TOP_K), jnp.int32),
        pltpu.SemaphoreType.DMA,
    ],
)
def _sc_untranspose(*args):
    _sc_untranspose_body(*args)


def _sc_untranspose_body(wt_hbm, it_hbm, w_out_hbm, i_out_hbm, w_in, i_in, w_out, i_out, sem):
    c = jax.lax.axis_index("c")
    s = jax.lax.axis_index("s")
    wid = s * _NC + c
    base = wid * _TPW
    copies = []
    for k in range(_TOP_K):
        copies.append(
            pltpu.async_copy(
                wt_hbm.at[k, pl.ds(base, _TPW)], w_in.at[pl.ds(k * _TPW, _TPW)], sem
            )
        )
        copies.append(
            pltpu.async_copy(
                it_hbm.at[k, pl.ds(base, _TPW)], i_in.at[pl.ds(k * _TPW, _TPW)], sem
            )
        )
    for cp in copies:
        cp.wait()

    lane = jax.lax.iota(jnp.int32, _LANES)

    def body(g, carry):
        row0 = g * _LANES
        flat0 = lane * _TOP_K + row0 * _TOP_K
        for k in range(_TOP_K):
            dst = flat0 + k
            wv = w_in[pl.ds(k * _TPW + row0, _LANES)]
            plsc.store_scatter(w_out, [dst], wv)
            iv = i_in[pl.ds(k * _TPW + row0, _LANES)]
            plsc.store_scatter(i_out, [dst], iv)
        return carry

    jax.lax.fori_loop(0, _TPW // _LANES, body, 0)
    pltpu.sync_copy(w_out, w_out_hbm.at[pl.ds(base * _TOP_K, _TPW * _TOP_K)])
    pltpu.sync_copy(i_out, i_out_hbm.at[pl.ds(base * _TOP_K, _TPW * _TOP_K)])


@functools.partial(
    pl.kernel,
    out_type=(
        jax.ShapeDtypeStruct((_N * _TOP_K,), jnp.float32),
        jax.ShapeDtypeStruct((_N * _TOP_K,), jnp.int32),
    ),
    mesh=plsc.VectorSubcoreMesh(core_axis_name="c", subcore_axis_name="s"),
    compiler_params=pltpu.CompilerParams(needs_layout_passes=False),
    scratch_types=[
        pltpu.VMEM((_TOP_K * _TPW,), jnp.float32),
        pltpu.VMEM((_TOP_K * _TPW,), jnp.int32),
        pltpu.VMEM((_TPW * _TOP_K,), jnp.float32),
        pltpu.VMEM((_TPW * _TOP_K,), jnp.int32),
        pltpu.SemaphoreType.DMA,
    ],
)
def _sc_untranspose(*args):
    _sc_untranspose_body(*args)


def kernel(x, W):
    grid = (_N // _BLOCK,)
    scores, weights_t, indices_t = pl.pallas_call(
        _router_body,
        grid=grid,
        in_specs=[
            pl.BlockSpec((_BLOCK, _D), lambda i: (i, 0)),
            pl.BlockSpec((_E, _D), lambda i: (0, 0)),
        ],
        out_specs=[
            pl.BlockSpec((_BLOCK, _E), lambda i: (i, 0)),
            pl.BlockSpec((_TOP_K, _BLOCK), lambda i: (0, i)),
            pl.BlockSpec((_TOP_K, _BLOCK), lambda i: (0, i)),
        ],
        out_shape=[
            jax.ShapeDtypeStruct((_N, _E), jnp.float32),
            jax.ShapeDtypeStruct((_TOP_K, _N), jnp.float32),
            jax.ShapeDtypeStruct((_TOP_K, _N), jnp.int32),
        ],
    )(x, W)
    weights, indices = _sc_untranspose(weights_t, indices_t)
    return (weights, indices, scores)

# --- scband reference (transcript-rebuilt; emitter-appended) ---
"""Pipeline reference for scband-linear-router-84181359001988 (READ-ONLY COPY).

The authoritative reference and input builder live on the scoring server;
editing this copy changes nothing except your own understanding.
"""

import jax, jax.numpy as jnp
import numpy as np
import math

N = 32768
D = 768
E = 64
TOP_K = 8
TEMP = 1.0

def setup_inputs(seed: int = 0) -> dict:
    key = jax.random.key(seed)
    k1, k2 = jax.random.split(key)
    x = jax.random.normal(k1, (N, D), dtype=jnp.float32)
    # xavier_uniform init for Linear weight of shape [E, D] (torch convention [out, in])
    a = math.sqrt(6.0 / (D + E))
    W = jax.random.uniform(k2, (E, D), dtype=jnp.float32, minval=-a, maxval=a)
    return {"x": x, "W": W}

def reference(x, W):
    # scores = x @ W^T  (nn.Linear with bias=False)
    scores = jnp.dot(x, W.T)
    top_k_scores, indices = jax.lax.top_k(scores, TOP_K)
    weights = jax.nn.softmax(top_k_scores / TEMP, axis=-1)
    return (weights, indices, scores)

if __name__ == "__main__":
    import jax
    _d = setup_inputs()
    print(jax.jit(kernel)(*tuple(_d.values())))

</pallas_src>

<mosaic_0001>
#map = affine_map<(d0, d1) -> (0, 0)>
#map1 = affine_map<(d0, d1) -> (0)>
module attributes {stable_mosaic.version = 14 : i64} {
  func.func @_sc_untranspose(%arg0: i32, %arg1: i32, %arg2: memref<8x32768xf32, #tpu.memory_space<hbm>>, %arg3: memref<8x32768xi32, #tpu.memory_space<hbm>>, %arg4: memref<262144xf32, #tpu.memory_space<hbm>>, %arg5: memref<262144xi32, #tpu.memory_space<hbm>>, %arg6: memref<8192xf32, #tpu.memory_space<vmem>>, %arg7: memref<8192xi32, #tpu.memory_space<vmem>>, %arg8: memref<8192xf32, #tpu.memory_space<vmem>>, %arg9: memref<8192xi32, #tpu.memory_space<vmem>>, %arg10: memref<!tpu.dma_semaphore, #tpu.memory_space<semaphore_mem>>) attributes {dimension_semantics = [#tpu.dimension_semantics<core_parallel>, #tpu.dimension_semantics<subcore_parallel>], iteration_bounds = array<i64: 2, 16>, scalar_prefetch = 0 : i64, scratch_operands = 5 : i64, tpu.core_type = #tpu.core_type<sc_vector_subcore>, window_params = [{transform_indices = #map}, {transform_indices = #map}, {transform_indices = #map1}, {transform_indices = #map1}]} {
    %mul3A = arith.constant 2 : i32
    %mul3A_0 = arith.muli %arg1, %mul3A : i32
    %add3A = arith.addi %mul3A_0, %arg0 : i32
    %mul3A_1 = arith.constant 1024 : i32
    %mul3A_2 = arith.muli %add3A, %mul3A_1 : i32
    %dma_start3A = arith.constant 0 : i32
    %dma_start3A_3 = arith.constant 0 : i32
    %dma_start3A_4 = tpu.memref_slice %arg6[%dma_start3A_3] : memref<8192xf32, #tpu.memory_space<vmem>> -> memref<1024xf32, #tpu.memory_space<vmem>>
    %dma_start3A_5 = tpu.memref_slice %arg2[%dma_start3A, %mul3A_2] : memref<8x32768xf32, #tpu.memory_space<hbm>> -> memref<1x1024xf32, #tpu.memory_space<hbm>>
    %dma_start3A_6 = tpu.memref_squeeze %dma_start3A_5 : memref<1x1024xf32, #tpu.memory_space<hbm>> -> memref<1024xf32, #tpu.memory_space<hbm>>
    %dma_start3A_7 = arith.constant 0 : i32
    %dma_start3A_8 = tpu.memref_slice %arg6[%dma_start3A_7] : memref<8192xf32, #tpu.memory_space<vmem>> -> memref<1024xf32, #tpu.memory_space<vmem>>
    %dma_start3A_9 = tpu.memref_slice %arg2[%dma_start3A, %mul3A_2] : memref<8x32768xf32, #tpu.memory_space<hbm>> -> memref<1x1024xf32, #tpu.memory_space<hbm>>
    %dma_start3A_10 = tpu.memref_squeeze %dma_start3A_9 : memref<1x1024xf32, #tpu.memory_space<hbm>> -> memref<1024xf32, #tpu.memory_space<hbm>>
    tpu.enqueue_dma source(%dma_start3A_10 : memref<1024xf32, #tpu.memory_space<hbm>>) target(%dma_start3A_8 : memref<1024xf32, #tpu.memory_space<vmem>>) target_semaphore(%arg10 : memref<!tpu.dma_semaphore, #tpu.memory_space<semaphore_mem>>)
    %dma_start3A_11 = arith.constant 0 : i32
    %dma_start3A_12 = arith.constant 0 : i32
    %dma_start3A_13 = tpu.memref_slice %arg7[%dma_start3A_12] : memref<8192xi32, #tpu.memory_space<vmem>> -> memref<1024xi32, #tpu.memory_space<vmem>>
    %dma_start3A_14 = tpu.memref_slice %arg3[%dma_start3A_11, %mul3A_2] : memref<8x32768xi32, #tpu.memory_space<hbm>> -> memref<1x1024xi32, #tpu.memory_space<hbm>>
    %dma_start3A_15 = tpu.memref_squeeze %dma_start3A_14 : memref<1x1024xi32, #tpu.memory_space<hbm>> -> memref<1024xi32, #tpu.memory_space<hbm>>
    %dma_start3A_16 = arith.constant 0 : i32
    %dma_start3A_17 = tpu.memref_slice %arg7[%dma_start3A_16] : memref<8192xi32, #tpu.memory_space<vmem>> -> memref<1024xi32, #tpu.memory_space<vmem>>
    %dma_start3A_18 = tpu.memref_slice %arg3[%dma_start3A_11, %mul3A_2] : memref<8x32768xi32, #tpu.memory_space<hbm>> -> memref<1x1024xi32, #tpu.memory_space<hbm>>
    %dma_start3A_19 = tpu.memref_squeeze %dma_start3A_18 : memref<1x1024xi32, #tpu.memory_space<hbm>> -> memref<1024xi32, #tpu.memory_space<hbm>>
    tpu.enqueue_dma source(%dma_start3A_19 : memref<1024xi32, #tpu.memory_space<hbm>>) target(%dma_start3A_17 : memref<1024xi32, #tpu.memory_space<vmem>>) target_semaphore(%arg10 : memref<!tpu.dma_semaphore, #tpu.memory_space<semaphore_mem>>)
    %dma_start3A_20 = arith.constant 1 : i32
    %dma_start3A_21 = arith.constant 1024 : i32
    %dma_start3A_22 = tpu.memref_slice %arg6[%dma_start3A_21] : memref<8192xf32, #tpu.memory_space<vmem>> -> memref<1024xf32, #tpu.memory_space<vmem>>
    %dma_start3A_23 = tpu.memref_slice %arg2[%dma_start3A_20, %mul3A_2] : memref<8x32768xf32, #tpu.memory_space<hbm>> -> memref<1x1024xf32, #tpu.memory_space<hbm>>
    %dma_start3A_24 = tpu.memref_squeeze %dma_start3A_23 : memref<1x1024xf32, #tpu.memory_space<hbm>> -> memref<1024xf32, #tpu.memory_space<hbm>>
    %dma_start3A_25 = arith.constant 1024 : i32
    %dma_start3A_26 = tpu.memref_slice %arg6[%dma_start3A_25] : memref<8192xf32, #tpu.memory_space<vmem>> -> memref<1024xf32, #tpu.memory_space<vmem>>
    %dma_start3A_27 = tpu.memref_slice %arg2[%dma_start3A_20, %mul3A_2] : memref<8x32768xf32, #tpu.memory_space<hbm>> -> memref<1x1024xf32, #tpu.memory_space<hbm>>
    %dma_start3A_28 = tpu.memref_squeeze %dma_start3A_27 : memref<1x1024xf32, #tpu.memory_space<hbm>> -> memref<1024xf32, #tpu.memory_space<hbm>>
    tpu.enqueue_dma source(%dma_start3A_28 : memref<1024xf32, #tpu.memory_space<hbm>>) target(%dma_start3A_26 : memref<1024xf32, #tpu.memory_space<vmem>>) target_semaphore(%arg10 : memref<!tpu.dma_semaphore, #tpu.memory_space<semaphore_mem>>)
    %dma_start3A_29 = arith.constant 1 : i32
    %dma_start3A_30 = arith.constant 1024 : i32
    %dma_start3A_31 = tpu.memref_slice %arg7[%dma_start3A_30] : memref<8192xi32, #tpu.memory_space<vmem>> -> memref<1024xi32, #tpu.memory_space<vmem>>
    %dma_start3A_32 = tpu.memref_slice %arg3[%dma_start3A_29, %mul3A_2] : memref<8x32768xi32, #tpu.memory_space<hbm>> -> memref<1x1024xi32, #tpu.memory_space<hbm>>
    %dma_start3A_33 = tpu.memref_squeeze %dma_start3A_32 : memref<1x1024xi32, #tpu.memory_space<hbm>> -> memref<1024xi32, #tpu.memory_space<hbm>>
    %dma_start3A_34 = arith.constant 1024 : i32
    %dma_start3A_35 = tpu.memref_slice %arg7[%dma_start3A_34] : memref<8192xi32, #tpu.memory_space<vmem>> -> memref<1024xi32, #tpu.memory_space<vmem>>
    %dma_start3A_36 = tpu.memref_slice %arg3[%dma_start3A_29, %mul3A_2] : memref<8x32768xi32, #tpu.memory_space<hbm>> -> memref<1x1024xi32, #tpu.memory_space<hbm>>
    %dma_start3A_37 = tpu.memref_squeeze %dma_start3A_36 : memref<1x1024xi32, #tpu.memory_space<hbm>> -> memref<1024xi32, #tpu.memory_space<hbm>>
    tpu.enqueue_dma source(%dma_start3A_37 : memref<1024xi32, #tpu.memory_space<hbm>>) target(%dma_start3A_35 : memref<1024xi32, #tpu.memory_space<vmem>>) target_semaphore(%arg10 : memref<!tpu.dma_semaphore, #tpu.memory_space<semaphore_mem>>)
    %dma_start3A_38 = arith.constant 2 : i32
    %dma_start3A_39 = arith.constant 2048 : i32
    %dma_start3A_40 = tpu.memref_slice %arg6[%dma_start3A_39] : memref<8192xf32, #tpu.memory_space<vmem>> -> memref<1024xf32, #tpu.memory_space<vmem>>
    %dma_start3A_41 = tpu.memref_slice %arg2[%dma_start3A_38, %mul3A_2] : memref<8x32768xf32, #tpu.memory_space<hbm>> -> memref<1x1024xf32, #tpu.memory_space<hbm>>
    %dma_start3A_42 = tpu.memref_squeeze %dma_start3A_41 : memref<1x1024xf32, #tpu.memory_space<hbm>> -> memref<1024xf32, #tpu.memory_space<hbm>>
    %dma_start3A_43 = arith.constant 2048 : i32
    %dma_start3A_44 = tpu.memref_slice %arg6[%dma_start3A_43] : memref<8192xf32, #tpu.memory_space<vmem>> -> memref<1024xf32, #tpu.memory_space<vmem>>
    %dma_start3A_45 = tpu.memref_slice %arg2[%dma_start3A_38, %mul3A_2] : memref<8x32768xf32, #tpu.memory_space<hbm>> -> memref<1x1024xf32, #tpu.memory_space<hbm>>
    %dma_start3A_46 = tpu.memref_squeeze %dma_start3A_45 : memref<1x1024xf32, #tpu.memory_space<hbm>> -> memref<1024xf32, #tpu.memory_space<hbm>>
    tpu.enqueue_dma source(%dma_start3A_46 : memref<1024xf32, #tpu.memory_space<hbm>>) target(%dma_start3A_44 : memref<1024xf32, #tpu.memory_space<vmem>>) target_semaphore(%arg10 : memref<!tpu.dma_semaphore, #tpu.memory_space<semaphore_mem>>)
    %dma_start3A_47 = arith.constant 2 : i32
    %dma_start3A_48 = arith.constant 2048 : i32
    %dma_start3A_49 = tpu.memref_slice %arg7[%dma_start3A_48] : memref<8192xi32, #tpu.memory_space<vmem>> -> memref<1024xi32, #tpu.memory_space<vmem>>
    %dma_start3A_50 = tpu.memref_slice %arg3[%dma_start3A_47, %mul3A_2] : memref<8x32768xi32, #tpu.memory_space<hbm>> -> memref<1x1024xi32, #tpu.memory_space<hbm>>
    %dma_start3A_51 = tpu.memref_squeeze %dma_start3A_50 : memref<1x1024xi32, #tpu.memory_space<hbm>> -> memref<1024xi32, #tpu.memory_space<hbm>>
    %dma_start3A_52 = arith.constant 2048 : i32
    %dma_start3A_53 = tpu.memref_slice %arg7[%dma_start3A_52] : memref<8192xi32, #tpu.memory_space<vmem>> -> memref<1024xi32, #tpu.memory_space<vmem>>
    %dma_start3A_54 = tpu.memref_slice %arg3[%dma_start3A_47, %mul3A_2] : memref<8x32768xi32, #tpu.memory_space<hbm>> -> memref<1x1024xi32, #tpu.memory_space<hbm>>
    %dma_start3A_55 = tpu.memref_squeeze %dma_start3A_54 : memref<1x1024xi32, #tpu.memory_space<hbm>> -> memref<1024xi32, #tpu.memory_space<hbm>>
    tpu.enqueue_dma source(%dma_start3A_55 : memref<1024xi32, #tpu.memory_space<hbm>>) target(%dma_start3A_53 : memref<1024xi32, #tpu.memory_space<vmem>>) target_semaphore(%arg10 : memref<!tpu.dma_semaphore, #tpu.memory_space<semaphore_mem>>)
    %dma_start3A_56 = arith.constant 3 : i32
    %dma_start3A_57 = arith.constant 3072 : i32
    %dma_start3A_58 = tpu.memref_slice %arg6[%dma_start3A_57] : memref<8192xf32, #tpu.memory_space<vmem>> -> memref<1024xf32, #tpu.memory_space<vmem>>
    %dma_start3A_59 = tpu.memref_slice %arg2[%dma_start3A_56, %mul3A_2] : memref<8x32768xf32, #tpu.memory_space<hbm>> -> memref<1x1024xf32, #tpu.memory_space<hbm>>
    %dma_start3A_60 = tpu.memref_squeeze %dma_start3A_59 : memref<1x1024xf32, #tpu.memory_space<hbm>> -> memref<1024xf32, #tpu.memory_space<hbm>>
    %dma_start3A_61 = arith.constant 3072 : i32
    %dma_start3A_62 = tpu.memref_slice %arg6[%dma_start3A_61] : memref<8192xf32, #tpu.memory_space<vmem>> -> memref<1024xf32, #tpu.memory_space<vmem>>
    %dma_start3A_63 = tpu.memref_slice %arg2[%dma_start3A_56, %mul3A_2] : memref<8x32768xf32, #tpu.memory_space<hbm>> -> memref<1x1024xf32, #tpu.memory_space<hbm>>
    %dma_start3A_64 = tpu.memref_squeeze %dma_start3A_63 : memref<1x1024xf32, #tpu.memory_space<hbm>> -> memref<1024xf32, #tpu.memory_space<hbm>>
    tpu.enqueue_dma source(%dma_start3A_64 : memref<1024xf32, #tpu.memory_space<hbm>>) target(%dma_start3A_62 : memref<1024xf32, #tpu.memory_space<vmem>>) target_semaphore(%arg10 : memref<!tpu.dma_semaphore, #tpu.memory_space<semaphore_mem>>)
    %dma_start3A_65 = arith.constant 3 : i32
    %dma_start3A_66 = arith.constant 3072 : i32
    %dma_start3A_67 = tpu.memref_slice %arg7[%dma_start3A_66] : memref<8192xi32, #tpu.memory_space<vmem>> -> memref<1024xi32, #tpu.memory_space<vmem>>
    %dma_start3A_68 = tpu.memref_slice %arg3[%dma_start3A_65, %mul3A_2] : memref<8x32768xi32, #tpu.memory_space<hbm>> -> memref<1x1024xi32, #tpu.memory_space<hbm>>
    %dma_start3A_69 = tpu.memref_squeeze %dma_start3A_68 : memref<1x1024xi32, #tpu.memory_space<hbm>> -> memref<1024xi32, #tpu.memory_space<hbm>>
    %dma_start3A_70 = arith.constant 3072 : i32
    %dma_start3A_71 = tpu.memref_slice %arg7[%dma_start3A_70] : memref<8192xi32, #tpu.memory_space<vmem>> -> memref<1024xi32, #tpu.memory_space<vmem>>
    %dma_start3A_72 = tpu.memref_slice %arg3[%dma_start3A_65, %mul3A_2] : memref<8x32768xi32, #tpu.memory_space<hbm>> -> memref<1x1024xi32, #tpu.memory_space<hbm>>
    %dma_start3A_73 = tpu.memref_squeeze %dma_start3A_72 : memref<1x1024xi32, #tpu.memory_space<hbm>> -> memref<1024xi32, #tpu.memory_space<hbm>>
    tpu.enqueue_dma source(%dma_start3A_73 : memref<1024xi32, #tpu.memory_space<hbm>>) target(%dma_start3A_71 : memref<1024xi32, #tpu.memory_space<vmem>>) target_semaphore(%arg10 : memref<!tpu.dma_semaphore, #tpu.memory_space<semaphore_mem>>)
    %dma_start3A_74 = arith.constant 4 : i32
    %dma_start3A_75 = arith.constant 4096 : i32
    %dma_start3A_76 = tpu.memref_slice %arg6[%dma_start3A_75] : memref<8192xf32, #tpu.memory_space<vmem>> -> memref<1024xf32, #tpu.memory_space<vmem>>
    %dma_start3A_77 = tpu.memref_slice %arg2[%dma_start3A_74, %mul3A_2] : memref<8x32768xf32, #tpu.memory_space<hbm>> -> memref<1x1024xf32, #tpu.memory_space<hbm>>
    %dma_start3A_78 = tpu.memref_squeeze %dma_start3A_77 : memref<1x1024xf32, #tpu.memory_space<hbm>> -> memref<1024xf32, #tpu.memory_space<hbm>>
    %dma_start3A_79 = arith.constant 4096 : i32
    %dma_start3A_80 = tpu.memref_slice %arg6[%dma_start3A_79] : memref<8192xf32, #tpu.memory_space<vmem>> -> memref<1024xf32, #tpu.memory_space<vmem>>
    %dma_start3A_81 = tpu.memref_slice %arg2[%dma_start3A_74, %mul3A_2] : memref<8x32768xf32, #tpu.memory_space<hbm>> -> memref<1x1024xf32, #tpu.memory_space<hbm>>
    %dma_start3A_82 = tpu.memref_squeeze %dma_start3A_81 : memref<1x1024xf32, #tpu.memory_space<hbm>> -> memref<1024xf32, #tpu.memory_space<hbm>>
    tpu.enqueue_dma source(%dma_start3A_82 : memref<1024xf32, #tpu.memory_space<hbm>>) target(%dma_start3A_80 : memref<1024xf32, #tpu.memory_space<vmem>>) target_semaphore(%arg10 : memref<!tpu.dma_semaphore, #tpu.memory_space<semaphore_mem>>)
    %dma_start3A_83 = arith.constant 4 : i32
    %dma_start3A_84 = arith.constant 4096 : i32
    %dma_start3A_85 = tpu.memref_slice %arg7[%dma_start3A_84] : memref<8192xi32, #tpu.memory_space<vmem>> -> memref<1024xi32, #tpu.memory_space<vmem>>
    %dma_start3A_86 = tpu.memref_slice %arg3[%dma_start3A_83, %mul3A_2] : memref<8x32768xi32, #tpu.memory_space<hbm>> -> memref<1x1024xi32, #tpu.memory_space<hbm>>
    %dma_start3A_87 = tpu.memref_squeeze %dma_start3A_86 : memref<1x1024xi32, #tpu.memory_space<hbm>> -> memref<1024xi32, #tpu.memory_space<hbm>>
    %dma_start3A_88 = arith.constant 4096 : i32
    %dma_start3A_89 = tpu.memref_slice %arg7[%dma_start3A_88] : memref<8192xi32, #tpu.memory_space<vmem>> -> memref<1024xi32, #tpu.memory_space<vmem>>
    %dma_start3A_90 = tpu.memref_slice %arg3[%dma_start3A_83, %mul3A_2] : memref<8x32768xi32, #tpu.memory_space<hbm>> -> memref<1x1024xi32, #tpu.memory_space<hbm>>
    %dma_start3A_91 = tpu.memref_squeeze %dma_start3A_90 : memref<1x1024xi32, #tpu.memory_space<hbm>> -> memref<1024xi32, #tpu.memory_space<hbm>>
    tpu.enqueue_dma source(%dma_start3A_91 : memref<1024xi32, #tpu.memory_space<hbm>>) target(%dma_start3A_89 : memref<1024xi32, #tpu.memory_space<vmem>>) target_semaphore(%arg10 : memref<!tpu.dma_semaphore, #tpu.memory_space<semaphore_mem>>)
    %dma_start3A_92 = arith.constant 5 : i32
    %dma_start3A_93 = arith.constant 5120 : i32
    %dma_start3A_94 = tpu.memref_slice %arg6[%dma_start3A_93] : memref<8192xf32, #tpu.memory_space<vmem>> -> memref<1024xf32, #tpu.memory_space<vmem>>
    %dma_start3A_95 = tpu.memref_slice %arg2[%dma_start3A_92, %mul3A_2] : memref<8x32768xf32, #tpu.memory_space<hbm>> -> memref<1x1024xf32, #tpu.memory_space<hbm>>
    %dma_start3A_96 = tpu.memref_squeeze %dma_start3A_95 : memref<1x1024xf32, #tpu.memory_space<hbm>> -> memref<1024xf32, #tpu.memory_space<hbm>>
    %dma_start3A_97 = arith.constant 5120 : i32
    %dma_start3A_98 = tpu.memref_slice %arg6[%dma_start3A_97] : memref<8192xf32, #tpu.memory_space<vmem>> -> memref<1024xf32, #tpu.memory_space<vmem>>
    %dma_start3A_99 = tpu.memref_slice %arg2[%dma_start3A_92, %mul3A_2] : memref<8x32768xf32, #tpu.memory_space<hbm>> -> memref<1x1024xf32, #tpu.memory_space<hbm>>
    %dma_start3A_100 = tpu.memref_squeeze %dma_start3A_99 : memref<1x1024xf32, #tpu.memory_space<hbm>> -> memref<1024xf32, #tpu.memory_space<hbm>>
    tpu.enqueue_dma source(%dma_start3A_100 : memref<1024xf32, #tpu.memory_space<hbm>>) target(%dma_start3A_98 : memref<1024xf32, #tpu.memory_space<vmem>>) target_semaphore(%arg10 : memref<!tpu.dma_semaphore, #tpu.memory_space<semaphore_mem>>)
    %dma_start3A_101 = arith.constant 5 : i32
    %dma_start3A_102 = arith.constant 5120 : i32
    %dma_start3A_103 = tpu.memref_slice %arg7[%dma_start3A_102] : memref<8192xi32, #tpu.memory_space<vmem>> -> memref<1024xi32, #tpu.memory_space<vmem>>
    %dma_start3A_104 = tpu.memref_slice %arg3[%dma_start3A_101, %mul3A_2] : memref<8x32768xi32, #tpu.memory_space<hbm>> -> memref<1x1024xi32, #tpu.memory_space<hbm>>
    %dma_start3A_105 = tpu.memref_squeeze %dma_start3A_104 : memref<1x1024xi32, #tpu.memory_space<hbm>> -> memref<1024xi32, #tpu.memory_space<hbm>>
    %dma_start3A_106 = arith.constant 5120 : i32
    %dma_start3A_107 = tpu.memref_slice %arg7[%dma_start3A_106] : memref<8192xi32, #tpu.memory_space<vmem>> -> memref<1024xi32, #tpu.memory_space<vmem>>
    %dma_start3A_108 = tpu.memref_slice %arg3[%dma_start3A_101, %mul3A_2] : memref<8x32768xi32, #tpu.memory_space<hbm>> -> memref<1x1024xi32, #tpu.memory_space<hbm>>
    %dma_start3A_109 = tpu.memref_squeeze %dma_start3A_108 : memref<1x1024xi32, #tpu.memory_space<hbm>> -> memref<1024xi32, #tpu.memory_space<hbm>>
    tpu.enqueue_dma source(%dma_start3A_109 : memref<1024xi32, #tpu.memory_space<hbm>>) target(%dma_start3A_107 : memref<1024xi32, #tpu.memory_space<vmem>>) target_semaphore(%arg10 : memref<!tpu.dma_semaphore, #tpu.memory_space<semaphore_mem>>)
    %dma_start3A_110 = arith.constant 6 : i32
    %dma_start3A_111 = arith.constant 6144 : i32
    %dma_start3A_112 = tpu.memref_slice %arg6[%dma_start3A_111] : memref<8192xf32, #tpu.memory_space<vmem>> -> memref<1024xf32, #tpu.memory_space<vmem>>
    %dma_start3A_113 = tpu.memref_slice %arg2[%dma_start3A_110, %mul3A_2] : memref<8x32768xf32, #tpu.memory_space<hbm>> -> memref<1x1024xf32, #tpu.memory_space<hbm>>
    %dma_start3A_114 = tpu.memref_squeeze %dma_start3A_113 : memref<1x1024xf32, #tpu.memory_space<hbm>> -> memref<1024xf32, #tpu.memory_space<hbm>>
    %dma_start3A_115 = arith.constant 6144 : i32
    %dma_start3A_116 = tpu.memref_slice %arg6[%dma_start3A_115] : memref<8192xf32, #tpu.memory_space<vmem>> -> memref<1024xf32, #tpu.memory_space<vmem>>
    %dma_start3A_117 = tpu.memref_slice %arg2[%dma_start3A_110, %mul3A_2] : memref<8x32768xf32, #tpu.memory_space<hbm>> -> memref<1x1024xf32, #tpu.memory_space<hbm>>
    %dma_start3A_118 = tpu.memref_squeeze %dma_start3A_117 : memref<1x1024xf32, #tpu.memory_space<hbm>> -> memref<1024xf32, #tpu.memory_space<hbm>>
    tpu.enqueue_dma source(%dma_start3A_118 : memref<1024xf32, #tpu.memory_space<hbm>>) target(%dma_start3A_116 : memref<1024xf32, #tpu.memory_space<vmem>>) target_semaphore(%arg10 : memref<!tpu.dma_semaphore, #tpu.memory_space<semaphore_mem>>)
    %dma_start3A_119 = arith.constant 6 : i32
    %dma_start3A_120 = arith.constant 6144 : i32
    %dma_start3A_121 = tpu.memref_slice %arg7[%dma_start3A_120] : memref<8192xi32, #tpu.memory_space<vmem>> -> memref<1024xi32, #tpu.memory_space<vmem>>
    %dma_start3A_122 = tpu.memref_slice %arg3[%dma_start3A_119, %mul3A_2] : memref<8x32768xi32, #tpu.memory_space<hbm>> -> memref<1x1024xi32, #tpu.memory_space<hbm>>
    %dma_start3A_123 = tpu.memref_squeeze %dma_start3A_122 : memref<1x1024xi32, #tpu.memory_space<hbm>> -> memref<1024xi32, #tpu.memory_space<hbm>>
    %dma_start3A_124 = arith.constant 6144 : i32
    %dma_start3A_125 = tpu.memref_slice %arg7[%dma_start3A_124] : memref<8192xi32, #tpu.memory_space<vmem>> -> memref<1024xi32, #tpu.memory_space<vmem>>
    %dma_start3A_126 = tpu.memref_slice %arg3[%dma_start3A_119, %mul3A_2] : memref<8x32768xi32, #tpu.memory_space<hbm>> -> memref<1x1024xi32, #tpu.memory_space<hbm>>
    %dma_start3A_127 = tpu.memref_squeeze %dma_start3A_126 : memref<1x1024xi32, #tpu.memory_space<hbm>> -> memref<1024xi32, #tpu.memory_space<hbm>>
    tpu.enqueue_dma source(%dma_start3A_127 : memref<1024xi32, #tpu.memory_space<hbm>>) target(%dma_start3A_125 : memref<1024xi32, #tpu.memory_space<vmem>>) target_semaphore(%arg10 : memref<!tpu.dma_semaphore, #tpu.memory_space<semaphore_mem>>)
    %dma_start3A_128 = arith.constant 7 : i32
    %dma_start3A_129 = arith.constant 7168 : i32
    %dma_start3A_130 = tpu.memref_slice %arg6[%dma_start3A_129] : memref<8192xf32, #tpu.memory_space<vmem>> -> memref<1024xf32, #tpu.memory_space<vmem>>
    %dma_start3A_131 = tpu.memref_slice %arg2[%dma_start3A_128, %mul3A_2] : memref<8x32768xf32, #tpu.memory_space<hbm>> -> memref<1x1024xf32, #tpu.memory_space<hbm>>
    %dma_start3A_132 = tpu.memref_squeeze %dma_start3A_131 : memref<1x1024xf32, #tpu.memory_space<hbm>> -> memref<1024xf32, #tpu.memory_space<hbm>>
    %dma_start3A_133 = arith.constant 7168 : i32
    %dma_start3A_134 = tpu.memref_slice %arg6[%dma_start3A_133] : memref<8192xf32, #tpu.memory_space<vmem>> -> memref<1024xf32, #tpu.memory_space<vmem>>
    %dma_start3A_135 = tpu.memref_slice %arg2[%dma_start3A_128, %mul3A_2] : memref<8x32768xf32, #tpu.memory_space<hbm>> -> memref<1x1024xf32, #tpu.memory_space<hbm>>
    %dma_start3A_136 = tpu.memref_squeeze %dma_start3A_135 : memref<1x1024xf32, #tpu.memory_space<hbm>> -> memref<1024xf32, #tpu.memory_space<hbm>>
    tpu.enqueue_dma source(%dma_start3A_136 : memref<1024xf32, #tpu.memory_space<hbm>>) target(%dma_start3A_134 : memref<1024xf32, #tpu.memory_space<vmem>>) target_semaphore(%arg10 : memref<!tpu.dma_semaphore, #tpu.memory_space<semaphore_mem>>)
    %dma_start3A_137 = arith.constant 7 : i32
    %dma_start3A_138 = arith.constant 7168 : i32
    %dma_start3A_139 = tpu.memref_slice %arg7[%dma_start3A_138] : memref<8192xi32, #tpu.memory_space<vmem>> -> memref<1024xi32, #tpu.memory_space<vmem>>
    %dma_start3A_140 = tpu.memref_slice %arg3[%dma_start3A_137, %mul3A_2] : memref<8x32768xi32, #tpu.memory_space<hbm>> -> memref<1x1024xi32, #tpu.memory_space<hbm>>
    %dma_start3A_141 = tpu.memref_squeeze %dma_start3A_140 : memref<1x1024xi32, #tpu.memory_space<hbm>> -> memref<1024xi32, #tpu.memory_space<hbm>>
    %dma_start3A_142 = arith.constant 7168 : i32
    %dma_start3A_143 = tpu.memref_slice %arg7[%dma_start3A_142] : memref<8192xi32, #tpu.memory_space<vmem>> -> memref<1024xi32, #tpu.memory_space<vmem>>
    %dma_start3A_144 = tpu.memref_slice %arg3[%dma_start3A_137, %mul3A_2] : memref<8x32768xi32, #tpu.memory_space<hbm>> -> memref<1x1024xi32, #tpu.memory_space<hbm>>
    %dma_start3A_145 = tpu.memref_squeeze %dma_start3A_144 : memref<1x1024xi32, #tpu.memory_space<hbm>> -> memref<1024xi32, #tpu.memory_space<hbm>>
    tpu.enqueue_dma source(%dma_start3A_145 : memref<1024xi32, #tpu.memory_space<hbm>>) target(%dma_start3A_143 : memref<1024xi32, #tpu.memory_space<vmem>>) target_semaphore(%arg10 : memref<!tpu.dma_semaphore, #tpu.memory_space<semaphore_mem>>)
    %dma_wait3A = arith.constant 0 : i32
    %dma_wait3A_146 = arith.constant 0 : i32
    %dma_wait3A_147 = tpu.memref_slice %arg6[%dma_wait3A_146] : memref<8192xf32, #tpu.memory_space<vmem>> -> memref<1024xf32, #tpu.memory_space<vmem>>
    %dma_wait3A_148 = tpu.memref_slice %arg2[%dma_wait3A, %mul3A_2] : memref<8x32768xf32, #tpu.memory_space<hbm>> -> memref<1x1024xf32, #tpu.memory_space<hbm>>
    %dma_wait3A_149 = tpu.memref_squeeze %dma_wait3A_148 : memref<1x1024xf32, #tpu.memory_space<hbm>> -> memref<1024xf32, #tpu.memory_space<hbm>>
    %dma_wait3A_150 = arith.constant 0 : i32
    %dma_wait3A_151 = tpu.memref_slice %arg6[%dma_wait3A_150] : memref<8192xf32, #tpu.memory_space<vmem>> -> memref<1024xf32, #tpu.memory_space<vmem>>
    %dma_wait3A_152 = tpu.memref_slice %arg2[%dma_wait3A, %mul3A_2] : memref<8x32768xf32, #tpu.memory_space<hbm>> -> memref<1x1024xf32, #tpu.memory_space<hbm>>
    %dma_wait3A_153 = tpu.memref_squeeze %dma_wait3A_152 : memref<1x1024xf32, #tpu.memory_space<hbm>> -> memref<1024xf32, #tpu.memory_space<hbm>>
    tpu.wait_dma2 semaphore(%arg10 : memref<!tpu.dma_semaphore, #tpu.memory_space<semaphore_mem>>) src(%dma_wait3A_153 : memref<1024xf32, #tpu.memory_space<hbm>>) dst(%dma_wait3A_151 : memref<1024xf32, #tpu.memory_space<vmem>>)
    %dma_wait3A_154 = arith.constant 0 : i32
    %dma_wait3A_155 = arith.constant 0 : i32
    %dma_wait3A_156 = tpu.memref_slice %arg7[%dma_wait3A_155] : memref<8192xi32, #tpu.memory_space<vmem>> -> memref<1024xi32, #tpu.memory_space<vmem>>
    %dma_wait3A_157 = tpu.memref_slice %arg3[%dma_wait3A_154, %mul3A_2] : memref<8x32768xi32, #tpu.memory_space<hbm>> -> memref<1x1024xi32, #tpu.memory_space<hbm>>
    %dma_wait3A_158 = tpu.memref_squeeze %dma_wait3A_157 : memref<1x1024xi32, #tpu.memory_space<hbm>> -> memref<1024xi32, #tpu.memory_space<hbm>>
    %dma_wait3A_159 = arith.constant 0 : i32
    %dma_wait3A_160 = tpu.memref_slice %arg7[%dma_wait3A_159] : memref<8192xi32, #tpu.memory_space<vmem>> -> memref<1024xi32, #tpu.memory_space<vmem>>
    %dma_wait3A_161 = tpu.memref_slice %arg3[%dma_wait3A_154, %mul3A_2] : memref<8x32768xi32, #tpu.memory_space<hbm>> -> memref<1x1024xi32, #tpu.memory_space<hbm>>
    %dma_wait3A_162 = tpu.memref_squeeze %dma_wait3A_161 : memref<1x1024xi32, #tpu.memory_space<hbm>> -> memref<1024xi32, #tpu.memory_space<hbm>>
    tpu.wait_dma2 semaphore(%arg10 : memref<!tpu.dma_semaphore, #tpu.memory_space<semaphore_mem>>) src(%dma_wait3A_162 : memref<1024xi32, #tpu.memory_space<hbm>>) dst(%dma_wait3A_160 : memref<1024xi32, #tpu.memory_space<vmem>>)
    %dma_wait3A_163 = arith.constant 1 : i32
    %dma_wait3A_164 = arith.constant 1024 : i32
    %dma_wait3A_165 = tpu.memref_slice %arg6[%dma_wait3A_164] : memref<8192xf32, #tpu.memory_space<vmem>> -> memref<1024xf32, #tpu.memory_space<vmem>>
    %dma_wait3A_166 = tpu.memref_slice %arg2[%dma_wait3A_163, %mul3A_2] : memref<8x32768xf32, #tpu.memory_space<hbm>> -> memref<1x1024xf32, #tpu.memory_space<hbm>>
    %dma_wait3A_167 = tpu.memref_squeeze %dma_wait3A_166 : memref<1x1024xf32, #tpu.memory_space<hbm>> -> memref<1024xf32, #tpu.memory_space<hbm>>
    %dma_wait3A_168 = arith.constant 1024 : i32
    %dma_wait3A_169 = tpu.memref_slice %arg6[%dma_wait3A_168] : memref<8192xf32, #tpu.memory_space<vmem>> -> memref<1024xf32, #tpu.memory_space<vmem>>
    %dma_wait3A_170 = tpu.memref_slice %arg2[%dma_wait3A_163, %mul3A_2] : memref<8x32768xf32, #tpu.memory_space<hbm>> -> memref<1x1024xf32, #tpu.memory_space<hbm>>
    %dma_wait3A_171 = tpu.memref_squeeze %dma_wait3A_170 : memref<1x1024xf32, #tpu.memory_space<hbm>> -> memref<1024xf32, #tpu.memory_space<hbm>>
    tpu.wait_dma2 semaphore(%arg10 : memref<!tpu.dma_semaphore, #tpu.memory_space<semaphore_mem>>) src(%dma_wait3A_171 : memref<1024xf32, #tpu.memory_space<hbm>>) dst(%dma_wait3A_169 : memref<1024xf32, #tpu.memory_space<vmem>>)
    %dma_wait3A_172 = arith.constant 1 : i32
    %dma_wait3A_173 = arith.constant 1024 : i32
    %dma_wait3A_174 = tpu.memref_slice %arg7[%dma_wait3A_173] : memref<8192xi32, #tpu.memory_space<vmem>> -> memref<1024xi32, #tpu.memory_space<vmem>>
    %dma_wait3A_175 = tpu.memref_slice %arg3[%dma_wait3A_172, %mul3A_2] : memref<8x32768xi32, #tpu.memory_space<hbm>> -> memref<1x1024xi32, #tpu.memory_space<hbm>>
    %dma_wait3A_176 = tpu.memref_squeeze %dma_wait3A_175 : memref<1x1024xi32, #tpu.memory_space<hbm>> -> memref<1024xi32, #tpu.memory_space<hbm>>
    %dma_wait3A_177 = arith.constant 1024 : i32
    %dma_wait3A_178 = tpu.memref_slice %arg7[%dma_wait3A_177] : memref<8192xi32, #tpu.memory_space<vmem>> -> memref<1024xi32, #tpu.memory_space<vmem>>
    %dma_wait3A_179 = tpu.memref_slice %arg3[%dma_wait3A_172, %mul3A_2] : memref<8x32768xi32, #tpu.memory_space<hbm>> -> memref<1x1024xi32, #tpu.memory_space<hbm>>
    %dma_wait3A_180 = tpu.memref_squeeze %dma_wait3A_179 : memref<1x1024xi32, #tpu.memory_space<hbm>> -> memref<1024xi32, #tpu.memory_space<hbm>>
    tpu.wait_dma2 semaphore(%arg10 : memref<!tpu.dma_semaphore, #tpu.memory_space<semaphore_mem>>) src(%dma_wait3A_180 : memref<1024xi32, #tpu.memory_space<hbm>>) dst(%dma_wait3A_178 : memref<1024xi32, #tpu.memory_space<vmem>>)
    %dma_wait3A_181 = arith.constant 2 : i32
    %dma_wait3A_182 = arith.constant 2048 : i32
    %dma_wait3A_183 = tpu.memref_slice %arg6[%dma_wait3A_182] : memref<8192xf32, #tpu.memory_space<vmem>> -> memref<1024xf32, #tpu.memory_space<vmem>>
    %dma_wait3A_184 = tpu.memref_slice %arg2[%dma_wait3A_181, %mul3A_2] : memref<8x32768xf32, #tpu.memory_space<hbm>> -> memref<1x1024xf32, #tpu.memory_space<hbm>>
    %dma_wait3A_185 = tpu.memref_squeeze %dma_wait3A_184 : memref<1x1024xf32, #tpu.memory_space<hbm>> -> memref<1024xf32, #tpu.memory_space<hbm>>
    %dma_wait3A_186 = arith.constant 2048 : i32
    %dma_wait3A_187 = tpu.memref_slice %arg6[%dma_wait3A_186] : memref<8192xf32, #tpu.memory_space<vmem>> -> memref<1024xf32, #tpu.memory_space<vmem>>
    %dma_wait3A_188 = tpu.memref_slice %arg2[%dma_wait3A_181, %mul3A_2] : memref<8x32768xf32, #tpu.memory_space<hbm>> -> memref<1x1024xf32, #tpu.memory_space<hbm>>
    %dma_wait3A_189 = tpu.memref_squeeze %dma_wait3A_188 : memref<1x1024xf32, #tpu.memory_space<hbm>> -> memref<1024xf32, #tpu.memory_space<hbm>>
    tpu.wait_dma2 semaphore(%arg10 : memref<!tpu.dma_semaphore, #tpu.memory_space<semaphore_mem>>) src(%dma_wait3A_189 : memref<1024xf32, #tpu.memory_space<hbm>>) dst(%dma_wait3A_187 : memref<1024xf32, #tpu.memory_space<vmem>>)
    %dma_wait3A_190 = arith.constant 2 : i32
    %dma_wait3A_191 = arith.constant 2048 : i32
    %dma_wait3A_192 = tpu.memref_slice %arg7[%dma_wait3A_191] : memref<8192xi32, #tpu.memory_space<vmem>> -> memref<1024xi32, #tpu.memory_space<vmem>>
    %dma_wait3A_193 = tpu.memref_slice %arg3[%dma_wait3A_190, %mul3A_2] : memref<8x32768xi32, #tpu.memory_space<hbm>> -> memref<1x1024xi32, #tpu.memory_space<hbm>>
    %dma_wait3A_194 = tpu.memref_squeeze %dma_wait3A_193 : memref<1x1024xi32, #tpu.memory_space<hbm>> -> memref<1024xi32, #tpu.memory_space<hbm>>
    %dma_wait3A_195 = arith.constant 2048 : i32
    %dma_wait3A_196 = tpu.memref_slice %arg7[%dma_wait3A_195] : memref<8192xi32, #tpu.memory_space<vmem>> -> memref<1024xi32, #tpu.memory_space<vmem>>
    %dma_wait3A_197 = tpu.memref_slice %arg3[%dma_wait3A_190, %mul3A_2] : memref<8x32768xi32, #tpu.memory_space<hbm>> -> memref<1x1024xi32, #tpu.memory_space<hbm>>
    %dma_wait3A_198 = tpu.memref_squeeze %dma_wait3A_197 : memref<1x1024xi32, #tpu.memory_space<hbm>> -> memref<1024xi32, #tpu.memory_space<hbm>>
    tpu.wait_dma2 semaphore(%arg10 : memref<!tpu.dma_semaphore, #tpu.memory_space<semaphore_mem>>) src(%dma_wait3A_198 : memref<1024xi32, #tpu.memory_space<hbm>>) dst(%dma_wait3A_196 : memref<1024xi32, #tpu.memory_space<vmem>>)
    %dma_wait3A_199 = arith.constant 3 : i32
    %dma_wait3A_200 = arith.constant 3072 : i32
    %dma_wait3A_201 = tpu.memref_slice %arg6[%dma_wait3A_200] : memref<8192xf32, #tpu.memory_space<vmem>> -> memref<1024xf32, #tpu.memory_space<vmem>>
    %dma_wait3A_202 = tpu.memref_slice %arg2[%dma_wait3A_199, %mul3A_2] : memref<8x32768xf32, #tpu.memory_space<hbm>> -> memref<1x1024xf32, #tpu.memory_space<hbm>>
    %dma_wait3A_203 = tpu.memref_squeeze %dma_wait3A_202 : memref<1x1024xf32, #tpu.memory_space<hbm>> -> memref<1024xf32, #tpu.memory_space<hbm>>
    %dma_wait3A_204 = arith.constant 3072 : i32
    %dma_wait3A_205 = tpu.memref_slice %arg6[%dma_wait3A_204] : memref<8192xf32, #tpu.memory_space<vmem>> -> memref<1024xf32, #tpu.memory_space<vmem>>
    %dma_wait3A_206 = tpu.memref_slice %arg2[%dma_wait3A_199, %mul3A_2] : memref<8x32768xf32, #tpu.memory_space<hbm>> -> memref<1x1024xf32, #tpu.memory_space<hbm>>
    %dma_wait3A_207 = tpu.memref_squeeze %dma_wait3A_206 : memref<1x1024xf32, #tpu.memory_space<hbm>> -> memref<1024xf32, #tpu.memory_space<hbm>>
    tpu.wait_dma2 semaphore(%arg10 : memref<!tpu.dma_semaphore, #tpu.memory_space<semaphore_mem>>) src(%dma_wait3A_207 : memref<1024xf32, #tpu.memory_space<hbm>>) dst(%dma_wait3A_205 : memref<1024xf32, #tpu.memory_space<vmem>>)
    %dma_wait3A_208 = arith.constant 3 : i32
    %dma_wait3A_209 = arith.constant 3072 : i32
    %dma_wait3A_210 = tpu.memref_slice %arg7[%dma_wait3A_209] : memref<8192xi32, #tpu.memory_space<vmem>> -> memref<1024xi32, #tpu.memory_space<vmem>>
    %dma_wait3A_211 = tpu.memref_slice %arg3[%dma_wait3A_208, %mul3A_2] : memref<8x32768xi32, #tpu.memory_space<hbm>> -> memref<1x1024xi32, #tpu.memory_space<hbm>>
    %dma_wait3A_212 = tpu.memref_squeeze %dma_wait3A_211 : memref<1x1024xi32, #tpu.memory_space<hbm>> -> memref<1024xi32, #tpu.memory_space<hbm>>
    %dma_wait3A_213 = arith.constant 3072 : i32
    %dma_wait3A_214 = tpu.memref_slice %arg7[%dma_wait3A_213] : memref<8192xi32, #tpu.memory_space<vmem>> -> memref<1024xi32, #tpu.memory_space<vmem>>
    %dma_wait3A_215 = tpu.memref_slice %arg3[%dma_wait3A_208, %mul3A_2] : memref<8x32768xi32, #tpu.memory_space<hbm>> -> memref<1x1024xi32, #tpu.memory_space<hbm>>
    %dma_wait3A_216 = tpu.memref_squeeze %dma_wait3A_215 : memref<1x1024xi32, #tpu.memory_space<hbm>> -> memref<1024xi32, #tpu.memory_space<hbm>>
    tpu.wait_dma2 semaphore(%arg10 : memref<!tpu.dma_semaphore, #tpu.memory_space<semaphore_mem>>) src(%dma_wait3A_216 : memref<1024xi32, #tpu.memory_space<hbm>>) dst(%dma_wait3A_214 : memref<1024xi32, #tpu.memory_space<vmem>>)
    %dma_wait3A_217 = arith.constant 4 : i32
    %dma_wait3A_218 = arith.constant 4096 : i32
    %dma_wait3A_219 = tpu.memref_slice %arg6[%dma_wait3A_218] : memref<8192xf32, #tpu.memory_space<vmem>> -> memref<1024xf32, #tpu.memory_space<vmem>>
    %dma_wait3A_220 = tpu.memref_slice %arg2[%dma_wait3A_217, %mul3A_2] : memref<8x32768xf32, #tpu.memory_space<hbm>> -> memref<1x1024xf32, #tpu.memory_space<hbm>>
    %dma_wait3A_221 = tpu.memref_squeeze %dma_wait3A_220 : memref<1x1024xf32, #tpu.memory_space<hbm>> -> memref<1024xf32, #tpu.memory_space<hbm>>
    %dma_wait3A_222 = arith.constant 4096 : i32
    %dma_wait3A_223 = tpu.memref_slice %arg6[%dma_wait3A_222] : memref<8192xf32, #tpu.memory_space<vmem>> -> memref<1024xf32, #tpu.memory_space<vmem>>
    %dma_wait3A_224 = tpu.memref_slice %arg2[%dma_wait3A_217, %mul3A_2] : memref<8x32768xf32, #tpu.memory_space<hbm>> -> memref<1x1024xf32, #tpu.memory_space<hbm>>
    %dma_wait3A_225 = tpu.memref_squeeze %dma_wait3A_224 : memref<1x1024xf32, #tpu.memory_space<hbm>> -> memref<1024xf32, #tpu.memory_space<hbm>>
    tpu.wait_dma2 semaphore(%arg10 : memref<!tpu.dma_semaphore, #tpu.memory_space<semaphore_mem>>) src(%dma_wait3A_225 : memref<1024xf32, #tpu.memory_space<hbm>>) dst(%dma_wait3A_223 : memref<1024xf32, #tpu.memory_space<vmem>>)
    %dma_wait3A_226 = arith.constant 4 : i32
    %dma_wait3A_227 = arith.constant 4096 : i32
    %dma_wait3A_228 = tpu.memref_slice %arg7[%dma_wait3A_227] : memref<8192xi32, #tpu.memory_space<vmem>> -> memref<1024xi32, #tpu.memory_space<vmem>>
    %dma_wait3A_229 = tpu.memref_slice %arg3[%dma_wait3A_226, %mul3A_2] : memref<8x32768xi32, #tpu.memory_space<hbm>> -> memref<1x1024xi32, #tpu.memory_space<hbm>>
    %dma_wait3A_230 = tpu.memref_squeeze %dma_wait3A_229 : memref<1x1024xi32, #tpu.memory_space<hbm>> -> memref<1024xi32, #tpu.memory_space<hbm>>
    %dma_wait3A_231 = arith.constant 4096 : i32
    %dma_wait3A_232 = tpu.memref_slice %arg7[%dma_wait3A_231] : memref<8192xi32, #tpu.memory_space<vmem>> -> memref<1024xi32, #tpu.memory_space<vmem>>
    %dma_wait3A_233 = tpu.memref_slice %arg3[%dma_wait3A_226, %mul3A_2] : memref<8x32768xi32, #tpu.memory_space<hbm>> -> memref<1x1024xi32, #tpu.memory_space<hbm>>
    %dma_wait3A_234 = tpu.memref_squeeze %dma_wait3A_233 : memref<1x1024xi32, #tpu.memory_space<hbm>> -> memref<1024xi32, #tpu.memory_space<hbm>>
    tpu.wait_dma2 semaphore(%arg10 : memref<!tpu.dma_semaphore, #tpu.memory_space<semaphore_mem>>) src(%dma_wait3A_234 : memref<1024xi32, #tpu.memory_space<hbm>>) dst(%dma_wait3A_232 : memref<1024xi32, #tpu.memory_space<vmem>>)
    %dma_wait3A_235 = arith.constant 5 : i32
    %dma_wait3A_236 = arith.constant 5120 : i32
    %dma_wait3A_237 = tpu.memref_slice %arg6[%dma_wait3A_236] : memref<8192xf32, #tpu.memory_space<vmem>> -> memref<1024xf32, #tpu.memory_space<vmem>>
    %dma_wait3A_238 = tpu.memref_slice %arg2[%dma_wait3A_235, %mul3A_2] : memref<8x32768xf32, #tpu.memory_space<hbm>> -> memref<1x1024xf32, #tpu.memory_space<hbm>>
    %dma_wait3A_239 = tpu.memref_squeeze %dma_wait3A_238 : memref<1x1024xf32, #tpu.memory_space<hbm>> -> memref<1024xf32, #tpu.memory_space<hbm>>
    %dma_wait3A_240 = arith.constant 5120 : i32
    %dma_wait3A_241 = tpu.memref_slice %arg6[%dma_wait3A_240] : memref<8192xf32, #tpu.memory_space<vmem>> -> memref<1024xf32, #tpu.memory_space<vmem>>
    %dma_wait3A_242 = tpu.memref_slice %arg2[%dma_wait3A_235, %mul3A_2] : memref<8x32768xf32, #tpu.memory_space<hbm>> -> memref<1x1024xf32, #tpu.memory_space<hbm>>
    %dma_wait3A_243 = tpu.memref_squeeze %dma_wait3A_242 : memref<1x1024xf32, #tpu.memory_space<hbm>> -> memref<1024xf32, #tpu.memory_space<hbm>>
    tpu.wait_dma2 semaphore(%arg10 : memref<!tpu.dma_semaphore, #tpu.memory_space<semaphore_mem>>) src(%dma_wait3A_243 : memref<1024xf32, #tpu.memory_space<hbm>>) dst(%dma_wait3A_241 : memref<1024xf32, #tpu.memory_space<vmem>>)
    %dma_wait3A_244 = arith.constant 5 : i32
    %dma_wait3A_245 = arith.constant 5120 : i32
    %dma_wait3A_246 = tpu.memref_slice %arg7[%dma_wait3A_245] : memref<8192xi32, #tpu.memory_space<vmem>> -> memref<1024xi32, #tpu.memory_space<vmem>>
    %dma_wait3A_247 = tpu.memref_slice %arg3[%dma_wait3A_244, %mul3A_2] : memref<8x32768xi32, #tpu.memory_space<hbm>> -> memref<1x1024xi32, #tpu.memory_space<hbm>>
    %dma_wait3A_248 = tpu.memref_squeeze %dma_wait3A_247 : memref<1x1024xi32, #tpu.memory_space<hbm>> -> memref<1024xi32, #tpu.memory_space<hbm>>
    %dma_wait3A_249 = arith.constant 5120 : i32
    %dma_wait3A_250 = tpu.memref_slice %arg7[%dma_wait3A_249] : memref<8192xi32, #tpu.memory_space<vmem>> -> memref<1024xi32, #tpu.memory_space<vmem>>
    %dma_wait3A_251 = tpu.memref_slice %arg3[%dma_wait3A_244, %mul3A_2] : memref<8x32768xi32, #tpu.memory_space<hbm>> -> memref<1x1024xi32, #tpu.memory_space<hbm>>
    %dma_wait3A_252 = tpu.memref_squeeze %dma_wait3A_251 : memref<1x1024xi32, #tpu.memory_space<hbm>> -> memref<1024xi32, #tpu.memory_space<hbm>>
    tpu.wait_dma2 semaphore(%arg10 : memref<!tpu.dma_semaphore, #tpu.memory_space<semaphore_mem>>) src(%dma_wait3A_252 : memref<1024xi32, #tpu.memory_space<hbm>>) dst(%dma_wait3A_250 : memref<1024xi32, #tpu.memory_space<vmem>>)
    %dma_wait3A_253 = arith.constant 6 : i32
    %dma_wait3A_254 = arith.constant 6144 : i32
    %dma_wait3A_255 = tpu.memref_slice %arg6[%dma_wait3A_254] : memref<8192xf32, #tpu.memory_space<vmem>> -> memref<1024xf32, #tpu.memory_space<vmem>>
    %dma_wait3A_256 = tpu.memref_slice %arg2[%dma_wait3A_253, %mul3A_2] : memref<8x32768xf32, #tpu.memory_space<hbm>> -> memref<1x1024xf32, #tpu.memory_space<hbm>>
    %dma_wait3A_257 = tpu.memref_squeeze %dma_wait3A_256 : memref<1x1024xf32, #tpu.memory_space<hbm>> -> memref<1024xf32, #tpu.memory_space<hbm>>
    %dma_wait3A_258 = arith.constant 6144 : i32
    %dma_wait3A_259 = tpu.memref_slice %arg6[%dma_wait3A_258] : memref<8192xf32, #tpu.memory_space<vmem>> -> memref<1024xf32, #tpu.memory_space<vmem>>
    %dma_wait3A_260 = tpu.memref_slice %arg2[%dma_wait3A_253, %mul3A_2] : memref<8x32768xf32, #tpu.memory_space<hbm>> -> memref<1x1024xf32, #tpu.memory_space<hbm>>
    %dma_wait3A_261 = tpu.memref_squeeze %dma_wait3A_260 : memref<1x1024xf32, #tpu.memory_space<hbm>> -> memref<1024xf32, #tpu.memory_space<hbm>>
    tpu.wait_dma2 semaphore(%arg10 : memref<!tpu.dma_semaphore, #tpu.memory_space<semaphore_mem>>) src(%dma_wait3A_261 : memref<1024xf32, #tpu.memory_space<hbm>>) dst(%dma_wait3A_259 : memref<1024xf32, #tpu.memory_space<vmem>>)
    %dma_wait3A_262 = arith.constant 6 : i32
    %dma_wait3A_263 = arith.constant 6144 : i32
    %dma_wait3A_264 = tpu.memref_slice %arg7[%dma_wait3A_263] : memref<8192xi32, #tpu.memory_space<vmem>> -> memref<1024xi32, #tpu.memory_space<vmem>>
    %dma_wait3A_265 = tpu.memref_slice %arg3[%dma_wait3A_262, %mul3A_2] : memref<8x32768xi32, #tpu.memory_space<hbm>> -> memref<1x1024xi32, #tpu.memory_space<hbm>>
    %dma_wait3A_266 = tpu.memref_squeeze %dma_wait3A_265 : memref<1x1024xi32, #tpu.memory_space<hbm>> -> memref<1024xi32, #tpu.memory_space<hbm>>
    %dma_wait3A_267 = arith.constant 6144 : i32
    %dma_wait3A_268 = tpu.memref_slice %arg7[%dma_wait3A_267] : memref<8192xi32, #tpu.memory_space<vmem>> -> memref<1024xi32, #tpu.memory_space<vmem>>
    %dma_wait3A_269 = tpu.memref_slice %arg3[%dma_wait3A_262, %mul3A_2] : memref<8x32768xi32, #tpu.memory_space<hbm>> -> memref<1x1024xi32, #tpu.memory_space<hbm>>
    %dma_wait3A_270 = tpu.memref_squeeze %dma_wait3A_269 : memref<1x1024xi32, #tpu.memory_space<hbm>> -> memref<1024xi32, #tpu.memory_space<hbm>>
    tpu.wait_dma2 semaphore(%arg10 : memref<!tpu.dma_semaphore, #tpu.memory_space<semaphore_mem>>) src(%dma_wait3A_270 : memref<1024xi32, #tpu.memory_space<hbm>>) dst(%dma_wait3A_268 : memref<1024xi32, #tpu.memory_space<vmem>>)
    %dma_wait3A_271 = arith.constant 7 : i32
    %dma_wait3A_272 = arith.constant 7168 : i32
    %dma_wait3A_273 = tpu.memref_slice %arg6[%dma_wait3A_272] : memref<8192xf32, #tpu.memory_space<vmem>> -> memref<1024xf32, #tpu.memory_space<vmem>>
    %dma_wait3A_274 = tpu.memref_slice %arg2[%dma_wait3A_271, %mul3A_2] : memref<8x32768xf32, #tpu.memory_space<hbm>> -> memref<1x1024xf32, #tpu.memory_space<hbm>>
    %dma_wait3A_275 = tpu.memref_squeeze %dma_wait3A_274 : memref<1x1024xf32, #tpu.memory_space<hbm>> -> memref<1024xf32, #tpu.memory_space<hbm>>
    %dma_wait3A_276 = arith.constant 7168 : i32
    %dma_wait3A_277 = tpu.memref_slice %arg6[%dma_wait3A_276] : memref<8192xf32, #tpu.memory_space<vmem>> -> memref<1024xf32, #tpu.memory_space<vmem>>
    %dma_wait3A_278 = tpu.memref_slice %arg2[%dma_wait3A_271, %mul3A_2] : memref<8x32768xf32, #tpu.memory_space<hbm>> -> memref<1x1024xf32, #tpu.memory_space<hbm>>
    %dma_wait3A_279 = tpu.memref_squeeze %dma_wait3A_278 : memref<1x1024xf32, #tpu.memory_space<hbm>> -> memref<1024xf32, #tpu.memory_space<hbm>>
    tpu.wait_dma2 semaphore(%arg10 : memref<!tpu.dma_semaphore, #tpu.memory_space<semaphore_mem>>) src(%dma_wait3A_279 : memref<1024xf32, #tpu.memory_space<hbm>>) dst(%dma_wait3A_277 : memref<1024xf32, #tpu.memory_space<vmem>>)
    %dma_wait3A_280 = arith.constant 7 : i32
    %dma_wait3A_281 = arith.constant 7168 : i32
    %dma_wait3A_282 = tpu.memref_slice %arg7[%dma_wait3A_281] : memref<8192xi32, #tpu.memory_space<vmem>> -> memref<1024xi32, #tpu.memory_space<vmem>>
    %dma_wait3A_283 = tpu.memref_slice %arg3[%dma_wait3A_280, %mul3A_2] : memref<8x32768xi32, #tpu.memory_space<hbm>> -> memref<1x1024xi32, #tpu.memory_space<hbm>>
    %dma_wait3A_284 = tpu.memref_squeeze %dma_wait3A_283 : memref<1x1024xi32, #tpu.memory_space<hbm>> -> memref<1024xi32, #tpu.memory_space<hbm>>
    %dma_wait3A_285 = arith.constant 7168 : i32
    %dma_wait3A_286 = tpu.memref_slice %arg7[%dma_wait3A_285] : memref<8192xi32, #tpu.memory_space<vmem>> -> memref<1024xi32, #tpu.memory_space<vmem>>
    %dma_wait3A_287 = tpu.memref_slice %arg3[%dma_wait3A_280, %mul3A_2] : memref<8x32768xi32, #tpu.memory_space<hbm>> -> memref<1x1024xi32, #tpu.memory_space<hbm>>
    %dma_wait3A_288 = tpu.memref_squeeze %dma_wait3A_287 : memref<1x1024xi32, #tpu.memory_space<hbm>> -> memref<1024xi32, #tpu.memory_space<hbm>>
    tpu.wait_dma2 semaphore(%arg10 : memref<!tpu.dma_semaphore, #tpu.memory_space<semaphore_mem>>) src(%dma_wait3A_288 : memref<1024xi32, #tpu.memory_space<hbm>>) dst(%dma_wait3A_286 : memref<1024xi32, #tpu.memory_space<vmem>>)
    %iota3A = tpu.iota {dimensions = array<i32: 0>} : vector<16xi32>
    %scan3A = arith.constant 0 : i32
    %scan3A_289 = arith.constant 0 : i32
    %scan3A_290 = arith.constant 64 : i32
    %scan3A_291 = arith.addi %scan3A_289, %scan3A_290 : i32
    %scan3A_292 = arith.constant 1 : i32
    scf.for %scan3A_298 = %scan3A_289 to %scan3A_291 step %scan3A_292  : i32 {
      %mul3A_299 = arith.constant 16 : i32
      %mul3A_300 = arith.muli %scan3A_298, %mul3A_299 : i32
      %mul3A_301 = arith.constant 8 : i32
      %mul3A_302 = vector.broadcast %mul3A_301 : i32 to vector<16xi32>
      %mul3A_303 = arith.muli %iota3A, %mul3A_302 : vector<16xi32>
      %mul3A_304 = arith.constant 8 : i32
      %mul3A_305 = arith.muli %mul3A_300, %mul3A_304 : i32
      %add3A_306 = vector.broadcast %mul3A_305 : i32 to vector<16xi32>
      %add3A_307 = arith.addi %mul3A_303, %add3A_306 : vector<16xi32>
      %add3A_308 = arith.constant 0 : i32
      %add3A_309 = vector.broadcast %add3A_308 : i32 to vector<16xi32>
      %add3A_310 = arith.addi %add3A_307, %add3A_309 : vector<16xi32>
      %add3A_311 = arith.constant 0 : i32
      %add3A_312 = arith.addi %add3A_311, %mul3A_300 : i32
      %get3A = arith.index_cast %add3A_312 : i32 to index
      %get3A_313 = tpu.vector_load %arg6[%get3A] {strides = array<i32>} : memref<8192xf32, #tpu.memory_space<vmem>>, vector<16xf32>,
      tpu.vector_store_idx %arg8[%add3A_310], %get3A_313 : memref<8192xf32, #tpu.memory_space<vmem>>[vector<16xi32>], vector<16xf32>,
      %add3A_314 = arith.constant 0 : i32
      %add3A_315 = arith.addi %add3A_314, %mul3A_300 : i32
      %get3A_316 = arith.index_cast %add3A_315 : i32 to index
      %get3A_317 = tpu.vector_load %arg7[%get3A_316] {strides = array<i32>} : memref<8192xi32, #tpu.memory_space<vmem>>, vector<16xi32>,
      tpu.vector_store_idx %arg9[%add3A_310], %get3A_317 : memref<8192xi32, #tpu.memory_space<vmem>>[vector<16xi32>], vector<16xi32>,
      %add3A_318 = arith.constant 1 : i32
      %add3A_319 = vector.broadcast %add3A_318 : i32 to vector<16xi32>
      %add3A_320 = arith.addi %add3A_307, %add3A_319 : vector<16xi32>
      %add3A_321 = arith.constant 1024 : i32
      %add3A_322 = arith.addi %add3A_321, %mul3A_300 : i32
      %get3A_323 = arith.index_cast %add3A_322 : i32 to index
      %get3A_324 = tpu.vector_load %arg6[%get3A_323] {strides = array<i32>} : memref<8192xf32, #tpu.memory_space<vmem>>, vector<16xf32>,
      tpu.vector_store_idx %arg8[%add3A_320], %get3A_324 : memref<8192xf32, #tpu.memory_space<vmem>>[vector<16xi32>], vector<16xf32>,
      %add3A_325 = arith.constant 1024 : i32
      %add3A_326 = arith.addi %add3A_325, %mul3A_300 : i32
      %get3A_327 = arith.index_cast %add3A_326 : i32 to index
      %get3A_328 = tpu.vector_load %arg7[%get3A_327] {strides = array<i32>} : memref<8192xi32, #tpu.memory_space<vmem>>, vector<16xi32>,
      tpu.vector_store_idx %arg9[%add3A_320], %get3A_328 : memref<8192xi32, #tpu.memory_space<vmem>>[vector<16xi32>], vector<16xi32>,
      %add3A_329 = arith.constant 2 : i32
      %add3A_330 = vector.broadcast %add3A_329 : i32 to vector<16xi32>
      %add3A_331 = arith.addi %add3A_307, %add3A_330 : vector<16xi32>
      %add3A_332 = arith.constant 2048 : i32
      %add3A_333 = arith.addi %add3A_332, %mul3A_300 : i32
      %get3A_334 = arith.index_cast %add3A_333 : i32 to index
      %get3A_335 = tpu.vector_load %arg6[%get3A_334] {strides = array<i32>} : memref<8192xf32, #tpu.memory_space<vmem>>, vector<16xf32>,
      tpu.vector_store_idx %arg8[%add3A_331], %get3A_335 : memref<8192xf32, #tpu.memory_space<vmem>>[vector<16xi32>], vector<16xf32>,
      %add3A_336 = arith.constant 2048 : i32
      %add3A_337 = arith.addi %add3A_336, %mul3A_300 : i32
      %get3A_338 = arith.index_cast %add3A_337 : i32 to index
      %get3A_339 = tpu.vector_load %arg7[%get3A_338] {strides = array<i32>} : memref<8192xi32, #tpu.memory_space<vmem>>, vector<16xi32>,
      tpu.vector_store_idx %arg9[%add3A_331], %get3A_339 : memref<8192xi32, #tpu.memory_space<vmem>>[vector<16xi32>], vector<16xi32>,
      %add3A_340 = arith.constant 3 : i32
      %add3A_341 = vector.broadcast %add3A_340 : i32 to vector<16xi32>
      %add3A_342 = arith.addi %add3A_307, %add3A_341 : vector<16xi32>
      %add3A_343 = arith.constant 3072 : i32
      %add3A_344 = arith.addi %add3A_343, %mul3A_300 : i32
      %get3A_345 = arith.index_cast %add3A_344 : i32 to index
      %get3A_346 = tpu.vector_load %arg6[%get3A_345] {strides = array<i32>} : memref<8192xf32, #tpu.memory_space<vmem>>, vector<16xf32>,
      tpu.vector_store_idx %arg8[%add3A_342], %get3A_346 : memref<8192xf32, #tpu.memory_space<vmem>>[vector<16xi32>], vector<16xf32>,
      %add3A_347 = arith.constant 3072 : i32
      %add3A_348 = arith.addi %add3A_347, %mul3A_300 : i32
      %get3A_349 = arith.index_cast %add3A_348 : i32 to index
      %get3A_350 = tpu.vector_load %arg7[%get3A_349] {strides = array<i32>} : memref<8192xi32, #tpu.memory_space<vmem>>, vector<16xi32>,
      tpu.vector_store_idx %arg9[%add3A_342], %get3A_350 : memref<8192xi32, #tpu.memory_space<vmem>>[vector<16xi32>], vector<16xi32>,
      %add3A_351 = arith.constant 4 : i32
      %add3A_352 = vector.broadcast %add3A_351 : i32 to vector<16xi32>
      %add3A_353 = arith.addi %add3A_307, %add3A_352 : vector<16xi32>
      %add3A_354 = arith.constant 4096 : i32
      %add3A_355 = arith.addi %add3A_354, %mul3A_300 : i32
      %get3A_356 = arith.index_cast %add3A_355 : i32 to index
      %get3A_357 = tpu.vector_load %arg6[%get3A_356] {strides = array<i32>} : memref<8192xf32, #tpu.memory_space<vmem>>, vector<16xf32>,
      tpu.vector_store_idx %arg8[%add3A_353], %get3A_357 : memref<8192xf32, #tpu.memory_space<vmem>>[vector<16xi32>], vector<16xf32>,
      %add3A_358 = arith.constant 4096 : i32
      %add3A_359 = arith.addi %add3A_358, %mul3A_300 : i32
      %get3A_360 = arith.index_cast %add3A_359 : i32 to index
      %get3A_361 = tpu.vector_load %arg7[%get3A_360] {strides = array<i32>} : memref<8192xi32, #tpu.memory_space<vmem>>, vector<16xi32>,
      tpu.vector_store_idx %arg9[%add3A_353], %get3A_361 : memref<8192xi32, #tpu.memory_space<vmem>>[vector<16xi32>], vector<16xi32>,
      %add3A_362 = arith.constant 5 : i32
      %add3A_363 = vector.broadcast %add3A_362 : i32 to vector<16xi32>
      %add3A_364 = arith.addi %add3A_307, %add3A_363 : vector<16xi32>
      %add3A_365 = arith.constant 5120 : i32
      %add3A_366 = arith.addi %add3A_365, %mul3A_300 : i32
      %get3A_367 = arith.index_cast %add3A_366 : i32 to index
      %get3A_368 = tpu.vector_load %arg6[%get3A_367] {strides = array<i32>} : memref<8192xf32, #tpu.memory_space<vmem>>, vector<16xf32>,
      tpu.vector_store_idx %arg8[%add3A_364], %get3A_368 : memref<8192xf32, #tpu.memory_space<vmem>>[vector<16xi32>], vector<16xf32>,
      %add3A_369 = arith.constant 5120 : i32
      %add3A_370 = arith.addi %add3A_369, %mul3A_300 : i32
      %get3A_371 = arith.index_cast %add3A_370 : i32 to index
      %get3A_372 = tpu.vector_load %arg7[%get3A_371] {strides = array<i32>} : memref<8192xi32, #tpu.memory_space<vmem>>, vector<16xi32>,
      tpu.vector_store_idx %arg9[%add3A_364], %get3A_372 : memref<8192xi32, #tpu.memory_space<vmem>>[vector<16xi32>], vector<16xi32>,
      %add3A_373 = arith.constant 6 : i32
      %add3A_374 = vector.broadcast %add3A_373 : i32 to vector<16xi32>
      %add3A_375 = arith.addi %add3A_307, %add3A_374 : vector<16xi32>
      %add3A_376 = arith.constant 6144 : i32
      %add3A_377 = arith.addi %add3A_376, %mul3A_300 : i32
      %get3A_378 = arith.index_cast %add3A_377 : i32 to index
      %get3A_379 = tpu.vector_load %arg6[%get3A_378] {strides = array<i32>} : memref<8192xf32, #tpu.memory_space<vmem>>, vector<16xf32>,
      tpu.vector_store_idx %arg8[%add3A_375], %get3A_379 : memref<8192xf32, #tpu.memory_space<vmem>>[vector<16xi32>], vector<16xf32>,
      %add3A_380 = arith.constant 6144 : i32
      %add3A_381 = arith.addi %add3A_380, %mul3A_300 : i32
      %get3A_382 = arith.index_cast %add3A_381 : i32 to index
      %get3A_383 = tpu.vector_load %arg7[%get3A_382] {strides = array<i32>} : memref<8192xi32, #tpu.memory_space<vmem>>, vector<16xi32>,
      tpu.vector_store_idx %arg9[%add3A_375], %get3A_383 : memref<8192xi32, #tpu.memory_space<vmem>>[vector<16xi32>], vector<16xi32>,
      %add3A_384 = arith.constant 7 : i32
      %add3A_385 = vector.broadcast %add3A_384 : i32 to vector<16xi32>
      %add3A_386 = arith.addi %add3A_307, %add3A_385 : vector<16xi32>
      %add3A_387 = arith.constant 7168 : i32
      %add3A_388 = arith.addi %add3A_387, %mul3A_300 : i32
      %get3A_389 = arith.index_cast %add3A_388 : i32 to index
      %get3A_390 = tpu.vector_load %arg6[%get3A_389] {strides = array<i32>} : memref<8192xf32, #tpu.memory_space<vmem>>, vector<16xf32>,
      tpu.vector_store_idx %arg8[%add3A_386], %get3A_390 : memref<8192xf32, #tpu.memory_space<vmem>>[vector<16xi32>], vector<16xf32>,
      %add3A_391 = arith.constant 7168 : i32
      %add3A_392 = arith.addi %add3A_391, %mul3A_300 : i32
      %get3A_393 = arith.index_cast %add3A_392 : i32 to index
      %get3A_394 = tpu.vector_load %arg7[%get3A_393] {strides = array<i32>} : memref<8192xi32, #tpu.memory_space<vmem>>, vector<16xi32>,
      tpu.vector_store_idx %arg9[%add3A_386], %get3A_394 : memref<8192xi32, #tpu.memory_space<vmem>>[vector<16xi32>], vector<16xi32>,
    }
    %scan3A_293 = arith.constant 64 : i32
    %mul3A_294 = arith.constant 8 : i32
    %mul3A_295 = arith.muli %mul3A_2, %mul3A_294 : i32
    "tpu.region"() ({
      %run_scoped3A = tpu.sem_alloc : memref<!tpu.dma_semaphore, #tpu.memory_space<semaphore_mem>>
      %dma_start3A_298 = tpu.memref_slice %arg4[%mul3A_295] : memref<262144xf32, #tpu.memory_space<hbm>> -> memref<8192xf32, #tpu.memory_space<hbm>>
      %dma_start3A_299 = tpu.memref_slice %arg4[%mul3A_295] : memref<262144xf32, #tpu.memory_space<hbm>> -> memref<8192xf32, #tpu.memory_space<hbm>>
      tpu.enqueue_dma source(%arg8 : memref<8192xf32, #tpu.memory_space<vmem>>) target(%dma_start3A_299 : memref<8192xf32, #tpu.memory_space<hbm>>) target_semaphore(%run_scoped3A : memref<!tpu.dma_semaphore, #tpu.memory_space<semaphore_mem>>)
      %dma_wait3A_300 = tpu.memref_slice %arg4[%mul3A_295] : memref<262144xf32, #tpu.memory_space<hbm>> -> memref<8192xf32, #tpu.memory_space<hbm>>
      %dma_wait3A_301 = tpu.memref_slice %arg4[%mul3A_295] : memref<262144xf32, #tpu.memory_space<hbm>> -> memref<8192xf32, #tpu.memory_space<hbm>>
      tpu.wait_dma2 semaphore(%run_scoped3A : memref<!tpu.dma_semaphore, #tpu.memory_space<semaphore_mem>>) src(%arg8 : memref<8192xf32, #tpu.memory_space<vmem>>) dst(%dma_wait3A_301 : memref<8192xf32, #tpu.memory_space<hbm>>)
      tpu.yield
    }) : () -> ()
    %mul3A_296 = arith.constant 8 : i32
    %mul3A_297 = arith.muli %mul3A_2, %mul3A_296 : i32
    "tpu.region"() ({
      %run_scoped3A = tpu.sem_alloc : memref<!tpu.dma_semaphore, #tpu.memory_space<semaphore_mem>>
      %dma_start3A_298 = tpu.memref_slice %arg5[%mul3A_297] : memref<262144xi32, #tpu.memory_space<hbm>> -> memref<8192xi32, #tpu.memory_space<hbm>>
      %dma_start3A_299 = tpu.memref_slice %arg5[%mul3A_297] : memref<262144xi32, #tpu.memory_space<hbm>> -> memref<8192xi32, #tpu.memory_space<hbm>>
      tpu.enqueue_dma source(%arg9 : memref<8192xi32, #tpu.memory_space<vmem>>) target(%dma_start3A_299 : memref<8192xi32, #tpu.memory_space<hbm>>) target_semaphore(%run_scoped3A : memref<!tpu.dma_semaphore, #tpu.memory_space<semaphore_mem>>)
      %dma_wait3A_300 = tpu.memref_slice %arg5[%mul3A_297] : memref<262144xi32, #tpu.memory_space<hbm>> -> memref<8192xi32, #tpu.memory_space<hbm>>
      %dma_wait3A_301 = tpu.memref_slice %arg5[%mul3A_297] : memref<262144xi32, #tpu.memory_space<hbm>> -> memref<8192xi32, #tpu.memory_space<hbm>>
      tpu.wait_dma2 semaphore(%run_scoped3A : memref<!tpu.dma_semaphore, #tpu.memory_space<semaphore_mem>>) src(%arg9 : memref<8192xi32, #tpu.memory_space<vmem>>) dst(%dma_wait3A_301 : memref<8192xi32, #tpu.memory_space<hbm>>)
      tpu.yield
    }) : () -> ()
    return
  }
}

module attributes {stable_mosaic.version = 14 : i64} {
  func.func @_router_body(%arg0: i32, %arg1: memref<1024x768xf32, #tpu.memory_space<vmem>>, %arg2: memref<64x768xf32, #tpu.memory_space<vmem>>, %arg3: memref<1024x64xf32, #tpu.memory_space<vmem>>, %arg4: memref<8x1024xf32, #tpu.memory_space<vmem>>, %arg5: memref<8x1024xi32, #tpu.memory_space<vmem>>) attributes {dimension_semantics = [#tpu.dimension_semantics<arbitrary>], iteration_bounds = array<i64: 32>, scalar_prefetch = 0 : i64, scratch_operands = 0 : i64, tpu.core_type = #tpu.core_type<tc>, window_params = [{transform_indices = @transform_0, window_bounds = array<i64: 1024, 768>}, {pipeline_mode = #tpu.pipeline_mode<synchronous>, transform_indices = @transform_1, window_bounds = array<i64: 64, 768>}, {transform_indices = @transform_2, window_bounds = array<i64: 1024, 64>}, {transform_indices = @transform_3, window_bounds = array<i64: 8, 1024>}, {transform_indices = @transform_4, window_bounds = array<i64: 8, 1024>}]} {
    %get3A = arith.constant 0 : index
    %get3A_0 = arith.constant 0 : index
    %get3A_1 = vector.load %arg1[%get3A, %get3A_0] : memref<1024x768xf32, #tpu.memory_space<vmem>>, vector<1024x768xf32>
    %get3A_2 = arith.constant 0 : index
    %get3A_3 = arith.constant 0 : index
    %get3A_4 = vector.load %arg2[%get3A_2, %get3A_3] : memref<64x768xf32, #tpu.memory_space<vmem>>, vector<64x768xf32>
    %dot_general3A = arith.constant dense<0.000000e+00> : vector<1024x64xf32>
    %dot_general3A_5 = tpu.matmul %get3A_1, %get3A_4, %dot_general3A {dimension_numbers = #tpu.dot_dimension_numbers<[1], [1], [0], [0], [0, 0, 1, 0], [], []>, transpose_lhs_hint = false} : vector<1024x768xf32>, vector<64x768xf32>, vector<1024x64xf32> -> vector<1024x64xf32>
    %swap3A = arith.constant 0 : index
    %swap3A_6 = arith.constant 0 : index
    %swap3A_7 = vector.load %arg3[%swap3A, %swap3A_6] : memref<1024x64xf32, #tpu.memory_space<vmem>>, vector<1024x64xf32>
    tpu.vector_store %arg3[%swap3A, %swap3A_6], %dot_general3A_5 {strides = array<i32>} : memref<1024x64xf32, #tpu.memory_space<vmem>>, vector<1024x64xf32>,
    %dot_general3A_8 = arith.constant dense<0.000000e+00> : vector<64x1024xf32>
    %dot_general3A_9 = tpu.matmul %get3A_4, %get3A_1, %dot_general3A_8 {dimension_numbers = #tpu.dot_dimension_numbers<[1], [1], [0], [0], [0, 0, 1, 0], [], []>, transpose_lhs_hint = false} : vector<64x768xf32>, vector<1024x768xf32>, vector<64x1024xf32> -> vector<64x1024xf32>
    %iota3A = tpu.iota {dimensions = array<i32: 0>} : vector<64x1024xi32>
    %argmax3A = tpu.reduce_index %dot_general3A_9 {axis = 0 : i32, kind = #tpu.reduction_kind<arg_max>} : vector<64x1024xf32> -> vector<1024xi32>
    %reduce_max3A = arith.constant dense<0xFF800000> : vector<1024xf32>
    %reduce_max3A_10 = vector.multi_reduction <maximumf>, %dot_general3A_9, %reduce_max3A [0] : vector<64x1024xf32> to vector<1024xf32>
    %broadcast_in_dim3A = vector.shape_cast %reduce_max3A_10 : vector<1024xf32> to vector<1x1024xf32>
    %broadcast_in_dim3A_11 = vector.shape_cast %argmax3A : vector<1024xi32> to vector<1x1024xi32>
    %broadcast_in_dim3A_12 = vector.shape_cast %argmax3A : vector<1024xi32> to vector<1x1024xi32>
    %eq3A = vector.broadcast %broadcast_in_dim3A_12 : vector<1x1024xi32> to vector<64x1024xi32>
    %eq3A_13 = arith.cmpi eq, %iota3A, %eq3A : vector<64x1024xi32>
    %jit3A = arith.constant 0xFF800000 : f32
    %broadcast_in_dim3A_14 = vector.broadcast %jit3A : f32 to vector<64x1024xf32>
    %select_n3A = arith.select %eq3A_13, %broadcast_in_dim3A_14, %dot_general3A_9 : vector<64x1024xi1>, vector<64x1024xf32>
    %argmax3A_15 = tpu.reduce_index %select_n3A {axis = 0 : i32, kind = #tpu.reduction_kind<arg_max>} : vector<64x1024xf32> -> vector<1024xi32>
    %reduce_max3A_16 = arith.constant dense<0xFF800000> : vector<1024xf32>
    %reduce_max3A_17 = vector.multi_reduction <maximumf>, %select_n3A, %reduce_max3A_16 [0] : vector<64x1024xf32> to vector<1024xf32>
    %broadcast_in_dim3A_18 = vector.shape_cast %reduce_max3A_17 : vector<1024xf32> to vector<1x1024xf32>
    %broadcast_in_dim3A_19 = vector.shape_cast %argmax3A_15 : vector<1024xi32> to vector<1x1024xi32>
    %broadcast_in_dim3A_20 = vector.shape_cast %argmax3A_15 : vector<1024xi32> to vector<1x1024xi32>
    %eq3A_21 = vector.broadcast %broadcast_in_dim3A_20 : vector<1x1024xi32> to vector<64x1024xi32>
    %eq3A_22 = arith.cmpi eq, %iota3A, %eq3A_21 : vector<64x1024xi32>
    %jit3A_23 = arith.constant 0xFF800000 : f32
    %broadcast_in_dim3A_24 = vector.broadcast %jit3A_23 : f32 to vector<64x1024xf32>
    %select_n3A_25 = arith.select %eq3A_22, %broadcast_in_dim3A_24, %select_n3A : vector<64x1024xi1>, vector<64x1024xf32>
    %argmax3A_26 = tpu.reduce_index %select_n3A_25 {axis = 0 : i32, kind = #tpu.reduction_kind<arg_max>} : vector<64x1024xf32> -> vector<1024xi32>
    %reduce_max3A_27 = arith.constant dense<0xFF800000> : vector<1024xf32>
    %reduce_max3A_28 = vector.multi_reduction <maximumf>, %select_n3A_25, %reduce_max3A_27 [0] : vector<64x1024xf32> to vector<1024xf32>
    %broadcast_in_dim3A_29 = vector.shape_cast %reduce_max3A_28 : vector<1024xf32> to vector<1x1024xf32>
    %broadcast_in_dim3A_30 = vector.shape_cast %argmax3A_26 : vector<1024xi32> to vector<1x1024xi32>
    %broadcast_in_dim3A_31 = vector.shape_cast %argmax3A_26 : vector<1024xi32> to vector<1x1024xi32>
    %eq3A_32 = vector.broadcast %broadcast_in_dim3A_31 : vector<1x1024xi32> to vector<64x1024xi32>
    %eq3A_33 = arith.cmpi eq, %iota3A, %eq3A_32 : vector<64x1024xi32>
    %jit3A_34 = arith.constant 0xFF800000 : f32
    %broadcast_in_dim3A_35 = vector.broadcast %jit3A_34 : f32 to vector<64x1024xf32>
    %select_n3A_36 = arith.select %eq3A_33, %broadcast_in_dim3A_35, %select_n3A_25 : vector<64x1024xi1>, vector<64x1024xf32>
    %argmax3A_37 = tpu.reduce_index %select_n3A_36 {axis = 0 : i32, kind = #tpu.reduction_kind<arg_max>} : vector<64x1024xf32> -> vector<1024xi32>
    %reduce_max3A_38 = arith.constant dense<0xFF800000> : vector<1024xf32>
    %reduce_max3A_39 = vector.multi_reduction <maximumf>, %select_n3A_36, %reduce_max3A_38 [0] : vector<64x1024xf32> to vector<1024xf32>
    %broadcast_in_dim3A_40 = vector.shape_cast %reduce_max3A_39 : vector<1024xf32> to vector<1x1024xf32>
    %broadcast_in_dim3A_41 = vector.shape_cast %argmax3A_37 : vector<1024xi32> to vector<1x1024xi32>
    %broadcast_in_dim3A_42 = vector.shape_cast %argmax3A_37 : vector<1024xi32> to vector<1x1024xi32>
    %eq3A_43 = vector.broadcast %broadcast_in_dim3A_42 : vector<1x1024xi32> to vector<64x1024xi32>
    %eq3A_44 = arith.cmpi eq, %iota3A, %eq3A_43 : vector<64x1024xi32>
    %jit3A_45 = arith.constant 0xFF800000 : f32
    %broadcast_in_dim3A_46 = vector.broadcast %jit3A_45 : f32 to vector<64x1024xf32>
    %select_n3A_47 = arith.select %eq3A_44, %broadcast_in_dim3A_46, %select_n3A_36 : vector<64x1024xi1>, vector<64x1024xf32>
    %argmax3A_48 = tpu.reduce_index %select_n3A_47 {axis = 0 : i32, kind = #tpu.reduction_kind<arg_max>} : vector<64x1024xf32> -> vector<1024xi32>
    %reduce_max3A_49 = arith.constant dense<0xFF800000> : vector<1024xf32>
    %reduce_max3A_50 = vector.multi_reduction <maximumf>, %select_n3A_47, %reduce_max3A_49 [0] : vector<64x1024xf32> to vector<1024xf32>
    %broadcast_in_dim3A_51 = vector.shape_cast %reduce_max3A_50 : vector<1024xf32> to vector<1x1024xf32>
    %broadcast_in_dim3A_52 = vector.shape_cast %argmax3A_48 : vector<1024xi32> to vector<1x1024xi32>
    %broadcast_in_dim3A_53 = vector.shape_cast %argmax3A_48 : vector<1024xi32> to vector<1x1024xi32>
    %eq3A_54 = vector.broadcast %broadcast_in_dim3A_53 : vector<1x1024xi32> to vector<64x1024xi32>
    %eq3A_55 = arith.cmpi eq, %iota3A, %eq3A_54 : vector<64x1024xi32>
    %jit3A_56 = arith.constant 0xFF800000 : f32
    %broadcast_in_dim3A_57 = vector.broadcast %jit3A_56 : f32 to vector<64x1024xf32>
    %select_n3A_58 = arith.select %eq3A_55, %broadcast_in_dim3A_57, %select_n3A_47 : vector<64x1024xi1>, vector<64x1024xf32>
    %argmax3A_59 = tpu.reduce_index %select_n3A_58 {axis = 0 : i32, kind = #tpu.reduction_kind<arg_max>} : vector<64x1024xf32> -> vector<1024xi32>
    %reduce_max3A_60 = arith.constant dense<0xFF800000> : vector<1024xf32>
    %reduce_max3A_61 = vector.multi_reduction <maximumf>, %select_n3A_58, %reduce_max3A_60 [0] : vector<64x1024xf32> to vector<1024xf32>
    %broadcast_in_dim3A_62 = vector.shape_cast %reduce_max3A_61 : vector<1024xf32> to vector<1x1024xf32>
    %broadcast_in_dim3A_63 = vector.shape_cast %argmax3A_59 : vector<1024xi32> to vector<1x1024xi32>
    %broadcast_in_dim3A_64 = vector.shape_cast %argmax3A_59 : vector<1024xi32> to vector<1x1024xi32>
    %eq3A_65 = vector.broadcast %broadcast_in_dim3A_64 : vector<1x1024xi32> to vector<64x1024xi32>
    %eq3A_66 = arith.cmpi eq, %iota3A, %eq3A_65 : vector<64x1024xi32>
    %jit3A_67 = arith.constant 0xFF800000 : f32
    %broadcast_in_dim3A_68 = vector.broadcast %jit3A_67 : f32 to vector<64x1024xf32>
    %select_n3A_69 = arith.select %eq3A_66, %broadcast_in_dim3A_68, %select_n3A_58 : vector<64x1024xi1>, vector<64x1024xf32>
    %argmax3A_70 = tpu.reduce_index %select_n3A_69 {axis = 0 : i32, kind = #tpu.reduction_kind<arg_max>} : vector<64x1024xf32> -> vector<1024xi32>
    %reduce_max3A_71 = arith.constant dense<0xFF800000> : vector<1024xf32>
    %reduce_max3A_72 = vector.multi_reduction <maximumf>, %select_n3A_69, %reduce_max3A_71 [0] : vector<64x1024xf32> to vector<1024xf32>
    %broadcast_in_dim3A_73 = vector.shape_cast %reduce_max3A_72 : vector<1024xf32> to vector<1x1024xf32>
    %broadcast_in_dim3A_74 = vector.shape_cast %argmax3A_70 : vector<1024xi32> to vector<1x1024xi32>
    %broadcast_in_dim3A_75 = vector.shape_cast %argmax3A_70 : vector<1024xi32> to vector<1x1024xi32>
    %eq3A_76 = vector.broadcast %broadcast_in_dim3A_75 : vector<1x1024xi32> to vector<64x1024xi32>
    %eq3A_77 = arith.cmpi eq, %iota3A, %eq3A_76 : vector<64x1024xi32>
    %jit3A_78 = arith.constant 0xFF800000 : f32
    %broadcast_in_dim3A_79 = vector.broadcast %jit3A_78 : f32 to vector<64x1024xf32>
    %select_n3A_80 = arith.select %eq3A_77, %broadcast_in_dim3A_79, %select_n3A_69 : vector<64x1024xi1>, vector<64x1024xf32>
    %argmax3A_81 = tpu.reduce_index %select_n3A_80 {axis = 0 : i32, kind = #tpu.reduction_kind<arg_max>} : vector<64x1024xf32> -> vector<1024xi32>
    %reduce_max3A_82 = arith.constant dense<0xFF800000> : vector<1024xf32>
    %reduce_max3A_83 = vector.multi_reduction <maximumf>, %select_n3A_80, %reduce_max3A_82 [0] : vector<64x1024xf32> to vector<1024xf32>
    %broadcast_in_dim3A_84 = vector.shape_cast %reduce_max3A_83 : vector<1024xf32> to vector<1x1024xf32>
    %broadcast_in_dim3A_85 = vector.shape_cast %argmax3A_81 : vector<1024xi32> to vector<1x1024xi32>
    %concatenate3A = tpu.concatenate %broadcast_in_dim3A, %broadcast_in_dim3A_18, %broadcast_in_dim3A_29, %broadcast_in_dim3A_40, %broadcast_in_dim3A_51, %broadcast_in_dim3A_62, %broadcast_in_dim3A_73, %broadcast_in_dim3A_84 in 0 : vector<1x1024xf32>, vector<1x1024xf32>, vector<1x1024xf32>, vector<1x1024xf32>, vector<1x1024xf32>, vector<1x1024xf32>, vector<1x1024xf32>, vector<1x1024xf32> -> vector<8x1024xf32>
    %concatenate3A_86 = tpu.concatenate %broadcast_in_dim3A_11, %broadcast_in_dim3A_19, %broadcast_in_dim3A_30, %broadcast_in_dim3A_41, %broadcast_in_dim3A_52, %broadcast_in_dim3A_63, %broadcast_in_dim3A_74, %broadcast_in_dim3A_85 in 0 : vector<1x1024xi32>, vector<1x1024xi32>, vector<1x1024xi32>, vector<1x1024xi32>, vector<1x1024xi32>, vector<1x1024xi32>, vector<1x1024xi32>, vector<1x1024xi32> -> vector<8x1024xi32>
    %slice3A = vector.extract_strided_slice %concatenate3A {offsets = [0, 0], sizes = [1, 1024], strides = [1, 1]} : vector<8x1024xf32> to vector<1x1024xf32>
    %sub3A = vector.broadcast %slice3A : vector<1x1024xf32> to vector<8x1024xf32>
    %sub3A_87 = arith.subf %concatenate3A, %sub3A : vector<8x1024xf32>
    %div3A = arith.constant 1.000000e+00 : f32
    %div3A_88 = vector.broadcast %div3A : f32 to vector<8x1024xf32>
    %div3A_89 = arith.divf %sub3A_87, %div3A_88 : vector<8x1024xf32>
    %exp3A = math.exp %div3A_89 : vector<8x1024xf32>
    %reduce_sum3A = arith.constant dense<0.000000e+00> : vector<1024xf32>
    %reduce_sum3A_90 = vector.multi_reduction <add>, %exp3A, %reduce_sum3A [0] : vector<8x1024xf32> to vector<1024xf32>
    %broadcast_in_dim3A_91 = vector.shape_cast %reduce_sum3A_90 : vector<1024xf32> to vector<1x1024xf32>
    %div3A_92 = vector.broadcast %broadcast_in_dim3A_91 : vector<1x1024xf32> to vector<8x1024xf32>
    %div3A_93 = arith.divf %exp3A, %div3A_92 : vector<8x1024xf32>
    %swap3A_94 = arith.constant 0 : index
    %swap3A_95 = arith.constant 0 : index
    %swap3A_96 = vector.load %arg4[%swap3A_94, %swap3A_95] : memref<8x1024xf32, #tpu.memory_space<vmem>>, vector<8x1024xf32>
    tpu.vector_store %arg4[%swap3A_94, %swap3A_95], %div3A_93 {strides = array<i32>} : memref<8x1024xf32, #tpu.memory_space<vmem>>, vector<8x1024xf32>,
    %swap3A_97 = arith.constant 0 : index
    %swap3A_98 = arith.constant 0 : index
    %swap3A_99 = vector.load %arg5[%swap3A_97, %swap3A_98] : memref<8x1024xi32, #tpu.memory_space<vmem>>, vector<8x1024xi32>
    tpu.vector_store %arg5[%swap3A_97, %swap3A_98], %concatenate3A_86 {strides = array<i32>} : memref<8x1024xi32, #tpu.memory_space<vmem>>, vector<8x1024xi32>,
    return
  }
  func.func @transform_0(%arg0: i32) -> (i32, i32) {
    %c0_i32 = arith.constant 0 : i32
    %c0_i32_0 = arith.constant 0 : i32
    return %arg0, %c0_i32 : i32, i32
  }
  func.func @transform_1(%arg0: i32) -> (i32, i32) {
    %c0_i32 = arith.constant 0 : i32
    %c0_i32_0 = arith.constant 0 : i32
    %c0_i32_1 = arith.constant 0 : i32
    return %c0_i32, %c0_i32_0 : i32, i32
  }
  func.func @transform_2(%arg0: i32) -> (i32, i32) {
    %c0_i32 = arith.constant 0 : i32
    %c0_i32_0 = arith.constant 0 : i32
    return %arg0, %c0_i32 : i32, i32
  }
  func.func @transform_3(%arg0: i32) -> (i32, i32) {
    %c0_i32 = arith.constant 0 : i32
    %c0_i32_0 = arith.constant 0 : i32
    return %c0_i32, %arg0 : i32, i32
  }
  func.func @transform_4(%arg0: i32) -> (i32, i32) {
    %c0_i32 = arith.constant 0 : i32
    %c0_i32_0 = arith.constant 0 : i32
    return %c0_i32, %arg0 : i32, i32
  }
}

</mosaic_0001>

<sc_bundles>
// kernel: kernel.4.cloned.1.call-start
scs
__scs_entry_jumppad:
0x0: {  	(pc) =	sbr.rel $0x88, $3  }
0x1: {  	(tag) =	ssettag $0x0;
	lr =	simm.s32 $0x1  }
0x2: {  	[smem:$0x3F9F] =	sst lr;
	_ =	strace $0xD0000000  }
0x3: {  	_ = 	snop  }
0x4: {  	_ = 	snop  }
0x5: {  	_ = 	snop  }
0x6: {  	_ = 	snop  }
0x7: {  	_ = 	snop  }
__scs_overlays_trampoline_lowered:
0x8: {  	[smem:$0x3FAE] =	sst s0  }
0x9: {  	[smem:$0x3FAF] =	sst s1  }
0xa: {  	[smem:$0x3FB0] =	sst s2  }
0xb: {  	[smem:$0x3FB1] =	sst s3  }
0xc: {  	[smem:$0x3FB2] =	sst s4  }
0xd: {  	[smem:$0x3FB3] =	sst s5  }
0xe: {  	[smem:$0x3FB4] =	sst s6  }
0xf: {  	[smem:$0x3FB5] =	sst s7  }
0x10: {  	[smem:$0x3FB6] =	sst s8  }
0x11: {  	[smem:$0x3FB7] =	sst s9;
	s0 =	simm.s32 @!p0 $0x0  }
0x12: {  	s1 =	sld [smem:$0x3F9D];
	s0 =	simm.s32 @p0 $0x1  }
0x13: {  	[smem:$0x3FB8] =	sst s0;
	s0 =	simm.s32 @!p1 $0x0  }
0x14: {  	s2 =	sld [smem:$0x3F9C];
	s0 =	simm.s32 @p1 $0x1  }
0x15: {  	[smem:$0x3FB9] =	sst s0;
	s0 =	simm.s32 @!p2 $0x0  }
0x16: {  	s3 =	sld [smem:$0x3FDB];
	s0 =	simm.s32 @p2 $0x1  }
0x17: {  	s4 =	simm.s32 $0x1BF5;
	[smem:$0x3FBB] =	sst s0  }
0x18: {  	s0 =	sld [smem:$0x3F9E];
	_ =	swait.ge [sflag:s4], $0x0  }
0x19: {  	s7 =	sld [smem:$0x3F9F]  }
0x1a: {  	s8 =	sadd.s32 $0xFFFFE003, lr  }
0x1b: {  	s9 =	sadd.s32 $0xFFFFFEF7, lr;
	s5 =	simm.s32 $0xFFFFFFFF;
	p2 =	slt.u32 s8, $0xFFFFF086  }
0x1c: {  	p1 =	slt.u32 s9, $0xF7A;
	s5 =	simm.s32 @!p2 $0x0  }
0x1d: {  	s5 =	simm.s32 @p1 $0x1;
	p0 =	seq.s32 s7, s2  }
0x1e: {  	s7 =	smul.u32 @!p0 $0xF7A, s2;
	p2 =	seq.s32 @!p0 s5, $0x0  }
0x1f: {  	s9 =	smul.u32 $0xF7A, s1;
	s8 =	simm.s32 @!p0 $0x1BF5;
	p2 =	por !p2, p0  }
0x20: {  	[sflag:s8] =	ssyncset.s32 @!p0 $0xFFFFF086;
	s6 =	sadd.s32 @!p0 s3, s7;
	s7 =	simm.s32 @!p0 $0x108  }
0x21: {  	s3 =	sadd.s32 s3, s9;
	s6 =	sadd.s32 @!p0 $0x88, s6;
	s7 =	simm.s32 @p2 $0x1082  }
0x22: {  	[simem:s7], [sflag:s8] =	dma.local @!p0 [hbm:s6], $0xF7A  }
0x23: {  	s9 =	sor.u32 $0xD0000000, s2;
	s6 =	simm.s32 $0x108;
	_ =	swait.ge @!p0 [sflag:s8], $0x0  }
0x24: {  	s3 =	sadd.s32 $0x88, s3;
	s6 =	simm.s32 @!p1 $0x1082;
	[sflag:s4] =	ssyncset.s32 $0xFFFFF086  }
0x25: {  	[simem:s6], [sflag:s4] =	dma.local [hbm:s3], $0xF7A  }
0x26: {  	[smem:$0x3F9F] =	sst s1;
	(tag) =	ssettag s2;
	_ =	strace s9  }
0x27: {  	s1 =	sld [smem:$0x3FAF]  }
0x28: {  	s2 =	sld [smem:$0x3FB0]  }
0x29: {  	s4 =	sld [smem:$0x3FB2]  }
0x2a: {  	p0 =	seq.s32 s5, $0x0;
	s5 =	sld [smem:$0x3FB3]  }
0x2b: {  	s6 =	sld [smem:$0x3FB4]  }
0x2c: {  	s7 =	sld [smem:$0x3FB5]  }
0x2d: {  	s3 =	simm.s32 $0x108;
	s8 =	sld [smem:$0x3FB6]  }
0x2e: {  	s3 =	simm.s32 @!p0 $0x1082;
	s9 =	sld [smem:$0x3FB7]  }
0x2f: {  	lr =	sadd.s32 s0, s3;
	s0 =	sld [smem:$0x3FAE]  }
0x30: {  	s3 =	sld [smem:$0x3FB1]  }
0x31: {  	[smem:$0x3FBA] =	sst s10  }
0x32: {  	s10 =	sld [smem:$0x3FB8];
	_ =	sdelay $0x3  }
0x33: {  	p0 =	seq.s32 s10, $0x1;
	s10 =	sld [smem:$0x3FBA];
	_ =	sdelay $0x3  }
0x34: {  	[smem:$0x3FBA] =	sst s10  }
0x35: {  	s10 =	sld [smem:$0x3FB9];
	_ =	sdelay $0x3  }
0x36: {  	p1 =	seq.s32 s10, $0x1;
	s10 =	sld [smem:$0x3FBA];
	_ =	sdelay $0x3  }
0x37: {  	[smem:$0x3FBA] =	sst s10  }
0x38: {  	s10 =	sld [smem:$0x3FBB]  }
0x39: {  	_ = 	snop;
	(pc) =	sbr.ind lr, $3  }
0x3a: {  	_ = 	snop  }
0x3b: {  	_ = 	snop  }
0x3c: {  	p2 =	seq.s32 s10, $0x1;
	s10 =	sld [smem:$0x3FBA]  }
0x3d: {  	_ =	shalt  }
0x3e: {  	_ =	shalt  }
0x3f: {  	_ =	shalt  }
0x40: {  	_ =	shalt  }
0x41: {  	_ =	shalt  }
0x42: {  	_ =	shalt  }
0x43: {  	_ =	shalt  }
0x44: {  	_ =	shalt  }
0x45: {  	_ =	shalt  }
0x46: {  	_ =	shalt  }
0x47: {  	_ =	shalt  }
0x48: {  	_ =	shalt  }
0x49: {  	_ =	shalt  }
0x4a: {  	_ =	shalt  }
0x4b: {  	_ =	shalt  }
0x4c: {  	_ =	shalt  }
0x4d: {  	_ =	shalt  }
0x4e: {  	_ =	shalt  }
0x4f: {  	_ =	shalt  }
0x50: {  	_ =	shalt  }
0x51: {  	_ =	shalt  }
0x52: {  	_ =	shalt  }
0x53: {  	_ =	shalt  }
0x54: {  	_ =	shalt  }
0x55: {  	_ =	shalt  }
0x56: {  	_ =	shalt  }
0x57: {  	_ =	shalt  }
0x58: {  	_ =	shalt  }
0x59: {  	_ =	shalt  }
0x5a: {  	_ =	shalt  }
0x5b: {  	_ =	shalt  }
0x5c: {  	_ =	shalt  }
0x5d: {  	_ =	shalt  }
0x5e: {  	_ =	shalt  }
0x5f: {  	_ =	shalt  }
0x60: {  	_ =	shalt  }
0x61: {  	_ =	shalt  }
0x62: {  	_ =	shalt  }
0x63: {  	_ =	shalt  }
0x64: {  	_ =	shalt  }
0x65: {  	_ =	shalt  }
0x66: {  	_ =	shalt  }
0x67: {  	_ =	shalt  }
0x68: {  	_ =	shalt  }
0x69: {  	_ =	shalt  }
0x6a: {  	_ =	shalt  }
0x6b: {  	_ =	shalt  }
0x6c: {  	_ =	shalt  }
0x6d: {  	_ =	shalt  }
0x6e: {  	_ =	shalt  }
0x6f: {  	_ =	shalt  }
0x70: {  	_ =	shalt  }
0x71: {  	_ =	shalt  }
0x72: {  	_ =	shalt  }
0x73: {  	_ =	shalt  }
0x74: {  	_ =	shalt  }
0x75: {  	_ =	shalt  }
0x76: {  	_ =	shalt  }
0x77: {  	_ =	shalt  }
0x78: {  	_ =	shalt  }
0x79: {  	_ =	shalt  }
0x7a: {  	_ =	shalt  }
0x7b: {  	_ =	shalt  }
0x7c: {  	_ =	shalt  }
0x7d: {  	_ =	shalt  }
0x7e: {  	_ =	shalt  }
0x7f: {  	_ =	shalt  }
0x80: {  	_ =	shalt  }
0x81: {  	_ =	shalt  }
0x82: {  	_ =	shalt  }
0x83: {  	_ =	shalt  }
0x84: {  	_ =	shalt  }
0x85: {  	_ =	shalt  }
0x86: {  	_ =	shalt  }
0x87: {  	_ =	shalt  }
.Lfunc_end0:
.L_simem_size_0:
called_computation_lowered:
.L_overlay_start_0:
0x88: {  	s2 =	sld [smem:$0x3FD9]  }
0x89: {  	s3 =	sld [smem:$0x3FFE];
	_ =	sdelay $0x1  }
0x8a: {  	s1 =	srdreg.scid  }
0x8b: {  	s0 =	sand.u32 $0x1, s1  }
0x8c: {  	s14 =	sshll.u32 s0, $0xA;
	s2 =	sadd.s32 s3, s2  }
0x8d: {  	s2 =	sadd.s32 s2, s14  }
0x8e: {  	[smem:$0x3FC6] =	sst s2  }
0x8f: {  	_ = 	snop  }
0x90: {  	s2 =	sld [smem:$0x3FD0];
	_ =	sdelay $0x2  }
0x91: {  	s15 =	simm.s32 $0xA;
	s4 =	simm.s32 $0x10  }
0x92: {  	[smem:s4], [sflag:s15] =	dma.local [hbm:s2], $0x1  }
0x93: {  	_ =	swait.eq [sflag:s15], $0x1  }
0x94: {  	[sflag:s15] =	ssyncset.done $0x0  }
0x95: {  	s16 =	sld [smem:$0x10];
	[sflag:s15] =	ssyncadd.s32 $0xFFFFFFFF  }
0x96: {  	s17 =	sld [smem:$0x11];
	(tm) =	ssettm $0x1  }
0x97: {  	s18 =	sld [smem:$0x3FFB];
	_ =	sdelay $0x3  }
0x98: {  	_ =	strace s18  }
0x99: {  	s4 =	sld [smem:$0x3FFC];
	_ =	sdelay $0x3  }
0x9a: {  	_ =	strace s4  }
0x9b: {  	s4 =	sld [smem:$0x3FFD];
	_ =	sdelay $0x3  }
0x9c: {  	_ =	strace s4  }
0x9d: {  	_ =	strace $0x8FFFFFFF  }
0x9e: {  	s19 =	sld [smem:$0x3FDB];
	_ =	sdelay $0x1  }
0x9f: {  	s5 =	simm.s32 $_scs_section_size  }
0xa0: {  	s6 =	simm.s32 $_size__tile_overlayer_lowered;
	s7 =	simm.s32 $_tile_overlayer_lowered  }
0xa1: {  	s22 =	simm.s32 $0x1BFF;
	s21 =	sshll.u32 s7, $0x1;
	s4 =	sadd.s32 s5, s19  }
0xa2: {  	s8 =	simm.s32 $0x0;
	s20 =	sshll.u32 s6, $0x1;
	s6 =	sadd.s32 s21, s4  }
0xa3: {  	[timem:s8], [sflag:s22] =	dma.local [hbm:s6], s20  }
0xa4: {  	_ =	swait.ge [sflag:s22], s20  }
0xa5: {  	s5 =	ssub.s32 $0x0, s20;
	[sflag:s22] =	ssyncset.done $0x0  }
0xa6: {  	[sflag:s22] =	ssyncadd.s32 s5;
	_ =	sdelay $0x1  }
0xa7: {  	s23 =	simm.s32 $0x1B8B  }
0xa8: {  	_ =	swait.ge [sflag:s23], $0x1  }
0xa9: {  	[sflag:s23] =	ssyncset.done $0x0  }
0xaa: {  	s25 =	simm.s32 $0x1B8E;
	s24 =	sld [smem:$0x3FFE];
	[sflag:s23] =	ssyncadd.s32 $0xFFFFFFFF  }
0xab: {  	s26 =	simm.s32 $execute0_lowered;
	[smem:$0x3FD2] =	sst s25  }
0xac: {  	s6 =	sshll.u32 s26, $0x1;
	_ =	strace $0x80000046;
	[dreg:$0x1] =	wrdreg $0xFFFFFFFF  }
0xad: {  	s28 =	simm.s32 $_size_execute0_lowered;
	s4 =	sadd.s32 s4, s6;
	[dreg:$0x0] =	wrdreg $0x0  }
0xae: {  	s6 =	sshll.u32 s28, $0x1;
	[dreg:$0x2] =	wrdreg s4  }
0xaf: {  	[dreg:$0x3] =	wrdreg s6  }
0xb0: {  	[dreg:$0x4] =	wrdreg $0xC0  }
0xb1: {  	_ =	task [dreg:s8], $0x5FFFF  }
0xb2: {  	[dreg:$0x1] =	wrdreg $0xFFFFFFFF  }
0xb3: {  	[dreg:$0x0] =	wrdreg $0x60  }
0xb4: {  	[dreg:$0x2] =	wrdreg s24  }
0xb5: {  	[dreg:$0x3] =	wrdreg s16  }
0xb6: {  	[dreg:$0x4] =	wrdreg s17  }
0xb7: {  	[dreg:$0x5] =	wrdreg $0x9  }
0xb8: {  	_ =	task.clear_ibuf [dreg:s8], $0x6FFFF;
	_ =	strace $0x90000046  }
0xb9: {  	s29 =	simm.s32 $0x9;
	_ =	strace $0x80000048  }
0xba: {  	_ =	swait.ge [sflag:s29], $0x1  }
0xbb: {  	[sflag:s29] =	ssyncadd.s32 $0xFFFFFFFF  }
0xbc: {  	_ =	strace $0x90000048  }
0xbd: {  	_ =	sfence  }
0xbe: {  	s30 =	sld [smem:$0x0];
	_ =	sdelay $0x2  }
0xbf: {  	s31 =	sshll.u32 s1, $0xD;
	s1 =	sshrl.u32 s1, $0x2  }
0xc0: {  	s3 =	sand.u32 $0x4000, s31;
	s1 =	sadd.s32 s1, s30  }
0xc1: {  	s0 =	sor.u32 s3, s0;
	s1 =	sshll.u32 s1, $0x11  }
0xc2: {  	s0 =	sor.u32 s1, s0  }
0xc3: {  	s0 =	sadd.s32 $0x8F2B, s0  }
0xc4: {  	[sflag:s0] =	ssyncadd.remote.s32 $0x1  }
0xc5: {  	_ =	sfence.sel $0xFFFF  }
0xc6: {  	[dreg:$0x0] =	wrdreg $0xFFFFFFFF;
	(pc) =	sbr.abs _section_cstart, $3  }
0xc7: {  	[dreg:$0x1] =	wrdreg $0xFFFFFFFF  }
0xc8: {  	_ =	task.clear_ibuf [dreg:s8], $0x2FFFF;
	_ =	strace $0x9FFFFFFF  }
0xc9: {  	(tm) =	ssettm $0x7FFFFFFF  }
tec
execute0_lowered:
.L_overlay_start_1:
0x0: {  	(tag) =	ssettag $0x1  }
0x1: {  	s0 =	rddreg [dreg:$0x0]  }
0x2: {  	s2 =	rddreg [dreg:$0x1]  }
0x3: {  	s20 =	rddreg [dreg:$0x2];
	s1 =	simm.s32 $0x0;
	s3 =	srdreg.scid  }
0x4: {  	s6 =	stileid.u32;
	s23 =	simm.s32 $0x400;
	s28 =	simm.s32 $0x1  }
0x5: {  	s29 =	simm.s32 $0x4000;
	s30 =	simm.s32 $0x6000;
	s31 =	simm.s32 $0x2  }
0x6: {  	[smem:$0x7FF] =	sst s1;
	s3 =	sand.u32 $0x1, s3;
	s17 =	sadd.s32 $0x1000, s0  }
0x7: {  	s6 =	sshll.u32 s6, $0xB;
	s4 =	ssub.s32 $0x2, s3;
	s3 =	sshll.u32 s3, $0xA  }
0x8: {  	s0 =	sadd.s32 $0x9000, s0;
	s5 =	sshrl.u32 s4, $0x1;
	s22 =	sor.u32 s3, s6  }
0x9: {  	_ =	strace $0x80000047;
	s21 =	ssub.s32 s4, s5;
	s3 =	sadd.s32 s17, s22  }
0xa: {  	s4 =	sadd.s32 s0, s22;
	s6 =	sor.u32 $0x10, s22;
	s8 =	sor.u32 $0x20, s22  }
0xb: {  	s10 =	sor.u32 $0x30, s22;
	s12 =	sor.u32 $0x40, s22;
	s14 =	sor.u32 $0x50, s22  }
0xc: {  	s16 =	sor.u32 $0x60, s22;
	s18 =	sor.u32 $0x70, s22;
	s19 =	sadd.s32 s2, s22  }
0xd: {  	v0 =	vlaneseq.u32;
	s20 =	sadd.s32 s20, s22;
	s22 =	simm.s32 $0x80;
	s5 =	sadd.s32 s17, s6  }
0xe: {  	v0 =	vmul.u32 $0x8, v0;
	s6 =	sadd.s32 s0, s6;
	s7 =	sadd.s32 s17, s8;
	s8 =	sadd.s32 s0, s8  }
0xf: {  	s9 =	sadd.s32 s17, s10;
	s10 =	sadd.s32 s0, s10;
	s11 =	sadd.s32 s17, s12  }
0x10: {  	v1 =	vor.u32 $0x1, v0;
	s12 =	sadd.s32 s0, s12;
	s13 =	sadd.s32 s17, s14;
	s14 =	sadd.s32 s0, s14  }
0x11: {  	v2 =	vor.u32 $0x2, v0;
	v3 =	vor.u32 $0x3, v0;
	v4 =	vor.u32 $0x4, v0;
	s15 =	sadd.s32 s17, s16;
	s16 =	sadd.s32 s0, s16;
	s17 =	sadd.s32 s17, s18  }
0x12: {  	v5 =	vor.u32 $0x5, v0;
	v6 =	vor.u32 $0x6, v0;
	v7 =	vor.u32 $0x7, v0;
	s18 =	sadd.s32 s0, s18;
	s21 =	smax.u32 s21, $0x1;
	s0 =	simm.s32 $0x0  }
.LBB2_1:
0x13: {  	[tilespmem:s1], [sflag:$0x1] =	stream.strided.gather [hbm4b:s3+s22], $0x400, s23, s22, $0x38;
	[tilespmem:$0x8000] =	vst v63  }
0x14: {  	s2 =	simm.s32 $0x2000  }
0x15: {  	[tilespmem:s2], [sflag:$0x1] =	stream.strided.gather [hbm4b:s4+s22], $0x400, s23, s22, $0x38;
	[tilespmem:$0x8000] =	vst v63  }
0x16: {  	_ = 	snop  }
0x17: {  	[tilespmem:s23], [sflag:$0x1] =	stream.strided.gather [hbm4b:s5+s22], $0x400, s23, s22, $0x38;
	[tilespmem:$0x8000] =	vst v63  }
0x18: {  	s24 =	simm.s32 $0x2400  }
0x19: {  	[tilespmem:s24], [sflag:$0x1] =	stream.strided.gather [hbm4b:s6+s22], $0x400, s23, s22, $0x38;
	[tilespmem:$0x8000] =	vst v63  }
0x1a: {  	s25 =	simm.s32 $0x800  }
0x1b: {  	[tilespmem:s25], [sflag:$0x1] =	stream.strided.gather [hbm4b:s7+s22], $0x400, s23, s22, $0x38;
	[tilespmem:$0x8000] =	vst v63  }
0x1c: {  	s26 =	simm.s32 $0x2800  }
0x1d: {  	[tilespmem:s26], [sflag:$0x1] =	stream.strided.gather [hbm4b:s8+s22], $0x400, s23, s22, $0x38;
	[tilespmem:$0x8000] =	vst v63  }
0x1e: {  	s24 =	simm.s32 $0xC00  }
0x1f: {  	[tilespmem:s24], [sflag:$0x1] =	stream.strided.gather [hbm4b:s9+s22], $0x400, s23, s22, $0x38;
	[tilespmem:$0x8000] =	vst v63  }
0x20: {  	s25 =	simm.s32 $0x2C00  }
0x21: {  	[tilespmem:s25], [sflag:$0x1] =	stream.strided.gather [hbm4b:s10+s22], $0x400, s23, s22, $0x38;
	[tilespmem:$0x8000] =	vst v63  }
0x22: {  	s24 =	simm.s32 $0x1000  }
0x23: {  	[tilespmem:s24], [sflag:$0x1] =	stream.strided.gather [hbm4b:s11+s22], $0x400, s23, s22, $0x38;
	[tilespmem:$0x8000] =	vst v63  }
0x24: {  	s2 =	simm.s32 $0x3000  }
0x25: {  	[tilespmem:s2], [sflag:$0x1] =	stream.strided.gather [hbm4b:s12+s22], $0x400, s23, s22, $0x38;
	[tilespmem:$0x8000] =	vst v63  }
0x26: {  	s25 =	simm.s32 $0x1400  }
0x27: {  	[tilespmem:s25], [sflag:$0x1] =	stream.strided.gather [hbm4b:s13+s22], $0x400, s23, s22, $0x38;
	[tilespmem:$0x8000] =	vst v63  }
0x28: {  	s26 =	simm.s32 $0x3400  }
0x29: {  	[tilespmem:s26], [sflag:$0x1] =	stream.strided.gather [hbm4b:s14+s22], $0x400, s23, s22, $0x38;
	[tilespmem:$0x8000] =	vst v63  }
0x2a: {  	s26 =	simm.s32 $0x1800  }
0x2b: {  	[tilespmem:s26], [sflag:$0x1] =	stream.strided.gather [hbm4b:s15+s22], $0x400, s23, s22, $0x38;
	[tilespmem:$0x8000] =	vst v63  }
0x2c: {  	s26 =	simm.s32 $0x3800  }
0x2d: {  	[tilespmem:s26], [sflag:$0x1] =	stream.strided.gather [hbm4b:s16+s22], $0x400, s23, s22, $0x38;
	[tilespmem:$0x8000] =	vst v63  }
0x2e: {  	s26 =	simm.s32 $0x1C00  }
0x2f: {  	[tilespmem:s26], [sflag:$0x1] =	stream.strided.gather [hbm4b:s17+s22], $0x400, s23, s22, $0x38;
	[tilespmem:$0x8000] =	vst v63  }
0x30: {  	s26 =	simm.s32 $0x3C00  }
0x31: {  	[tilespmem:s26], [sflag:$0x1] =	stream.strided.gather [hbm4b:s18+s22], $0x400, s23, s22, $0x38;
	[tilespmem:$0x8000] =	vst v63  }
0x32: {  	_ =	swait.ge [sflag:s28], $0x400  }
0x33: {  	[sflag:s28] =	ssyncset.done $0x0  }
0x34: {  	[sflag:s28] =	ssyncadd.s32 $0xFFFFFC00  }
0x35: {  	_ =	swait.ge [sflag:s28], $0x400  }
0x36: {  	[sflag:s28] =	ssyncset.done $0x0  }
0x37: {  	[sflag:s28] =	ssyncadd.s32 $0xFFFFFC00  }
0x38: {  	_ =	swait.ge [sflag:s28], $0x400  }
0x39: {  	[sflag:s28] =	ssyncset.done $0x0  }
0x3a: {  	[sflag:s28] =	ssyncadd.s32 $0xFFFFFC00  }
0x3b: {  	_ =	swait.ge [sflag:s28], $0x400  }
0x3c: {  	[sflag:s28] =	ssyncset.done $0x0  }
0x3d: {  	[sflag:s28] =	ssyncadd.s32 $0xFFFFFC00  }
0x3e: {  	_ =	swait.ge [sflag:s28], $0x400  }
0x3f: {  	[sflag:s28] =	ssyncset.done $0x0  }
0x40: {  	[sflag:s28] =	ssyncadd.s32 $0xFFFFFC00  }
0x41: {  	_ =	swait.ge [sflag:s28], $0x400  }
0x42: {  	[sflag:s28] =	ssyncset.done $0x0  }
0x43: {  	[sflag:s28] =	ssyncadd.s32 $0xFFFFFC00  }
0x44: {  	_ =	swait.ge [sflag:s28], $0x400  }
0x45: {  	[sflag:s28] =	ssyncset.done $0x0  }
0x46: {  	[sflag:s28] =	ssyncadd.s32 $0xFFFFFC00  }
0x47: {  	_ =	swait.ge [sflag:s28], $0x400  }
0x48: {  	[sflag:s28] =	ssyncset.done $0x0  }
0x49: {  	[sflag:s28] =	ssyncadd.s32 $0xFFFFFC00  }
0x4a: {  	_ =	swait.ge [sflag:s28], $0x400  }
0x4b: {  	[sflag:s28] =	ssyncset.done $0x0  }
0x4c: {  	[sflag:s28] =	ssyncadd.s32 $0xFFFFFC00  }
0x4d: {  	_ =	swait.ge [sflag:s28], $0x400  }
0x4e: {  	[sflag:s28] =	ssyncset.done $0x0  }
0x4f: {  	[sflag:s28] =	ssyncadd.s32 $0xFFFFFC00  }
0x50: {  	_ =	swait.ge [sflag:s28], $0x400  }
0x51: {  	[sflag:s28] =	ssyncset.done $0x0  }
0x52: {  	[sflag:s28] =	ssyncadd.s32 $0xFFFFFC00  }
0x53: {  	_ =	swait.ge [sflag:s28], $0x400  }
0x54: {  	[sflag:s28] =	ssyncset.done $0x0  }
0x55: {  	[sflag:s28] =	ssyncadd.s32 $0xFFFFFC00  }
0x56: {  	_ =	swait.ge [sflag:s28], $0x400  }
0x57: {  	[sflag:s28] =	ssyncset.done $0x0  }
0x58: {  	[sflag:s28] =	ssyncadd.s32 $0xFFFFFC00  }
0x59: {  	_ =	swait.ge [sflag:s28], $0x400  }
0x5a: {  	[sflag:s28] =	ssyncset.done $0x0  }
0x5b: {  	[sflag:s28] =	ssyncadd.s32 $0xFFFFFC00  }
0x5c: {  	_ =	swait.ge [sflag:s28], $0x400  }
0x5d: {  	[sflag:s28] =	ssyncset.done $0x0  }
0x5e: {  	[sflag:s28] =	ssyncadd.s32 $0xFFFFFC00  }
0x5f: {  	_ =	swait.ge [sflag:s28], $0x400  }
0x60: {  	[sflag:s28] =	ssyncset.done $0x0  }
0x61: {  	[sflag:s28] =	ssyncadd.s32 $0xFFFFFC00  }
0x62: {  	v9 =	vor.u32 s1, v0;
	v8 =	vld [tilespmem:s24+$0xFFFFF000];
	_ =	sdelay $0x4  }
0x63: {  	[tilespmem:v9+s29+$0x0] =	vst.idx.msk $0xffff, v8  }
0x64: {  	v8 =	vld [tilespmem:s2+$0xFFFFF000];
	_ =	sdelay $0x4  }
0x65: {  	[tilespmem:v9+s30+$0x0] =	vst.idx.msk $0xffff, v8  }
0x66: {  	v9 =	vor.u32 s1, v1;
	v8 =	vld [tilespmem:s24+$0xFFFFF400];
	_ =	sdelay $0x4  }
0x67: {  	[tilespmem:v9+s29+$0x0] =	vst.idx.msk $0xffff, v8  }
0x68: {  	v8 =	vld [tilespmem:s2+$0xFFFFF400];
	_ =	sdelay $0x4  }
0x69: {  	[tilespmem:v9+s30+$0x0] =	vst.idx.msk $0xffff, v8  }
0x6a: {  	v9 =	vor.u32 s1, v2;
	v8 =	vld [tilespmem:s24+$0xFFFFF800];
	_ =	sdelay $0x4  }
0x6b: {  	[tilespmem:v9+s29+$0x0] =	vst.idx.msk $0xffff, v8  }
0x6c: {  	v8 =	vld [tilespmem:s2+$0xFFFFF800];
	_ =	sdelay $0x4  }
0x6d: {  	[tilespmem:v9+s30+$0x0] =	vst.idx.msk $0xffff, v8  }
0x6e: {  	v9 =	vor.u32 s1, v3;
	v8 =	vld [tilespmem:s24+$0xFFFFFC00];
	_ =	sdelay $0x4  }
0x6f: {  	[tilespmem:v9+s29+$0x0] =	vst.idx.msk $0xffff, v8  }
0x70: {  	v8 =	vld [tilespmem:s2+$0xFFFFFC00];
	_ =	sdelay $0x4  }
0x71: {  	[tilespmem:v9+s30+$0x0] =	vst.idx.msk $0xffff, v8  }
0x72: {  	v9 =	vor.u32 s1, v4;
	v8 =	vld [tilespmem:s24+$0x0];
	_ =	sdelay $0x4  }
0x73: {  	[tilespmem:v9+s29+$0x0] =	vst.idx.msk $0xffff, v8  }
0x74: {  	v8 =	vld [tilespmem:s2+$0x0];
	_ =	sdelay $0x4  }
0x75: {  	[tilespmem:v9+s30+$0x0] =	vst.idx.msk $0xffff, v8  }
0x76: {  	v9 =	vor.u32 s1, v5;
	v8 =	vld [tilespmem:s24+$0x400];
	_ =	sdelay $0x4  }
0x77: {  	[tilespmem:v9+s29+$0x0] =	vst.idx.msk $0xffff, v8  }
0x78: {  	v8 =	vld [tilespmem:s2+$0x400];
	_ =	sdelay $0x4  }
0x79: {  	[tilespmem:v9+s30+$0x0] =	vst.idx.msk $0xffff, v8  }
0x7a: {  	v9 =	vor.u32 s1, v6;
	v8 =	vld [tilespmem:s24+$0x800];
	_ =	sdelay $0x4  }
0x7b: {  	[tilespmem:v9+s29+$0x0] =	vst.idx.msk $0xffff, v8  }
0x7c: {  	v8 =	vld [tilespmem:s2+$0x800];
	_ =	sdelay $0x4  }
0x7d: {  	[tilespmem:v9+s30+$0x0] =	vst.idx.msk $0xffff, v8  }
0x7e: {  	v9 =	vor.u32 s1, v7;
	v8 =	vld [tilespmem:s24+$0xC00];
	_ =	sdelay $0x4  }
0x7f: {  	[tilespmem:v9+s29+$0x0] =	vst.idx.msk $0xffff, v8  }
0x80: {  	v8 =	vld [tilespmem:s2+$0xC00];
	_ =	sdelay $0x4  }
0x81: {  	s25 =	simm.s32 $0x1010;
	s24 =	simm.s32 $0x80;
	[tilespmem:v9+s30+$0x0] =	vst.idx.msk $0xffff, v8  }
0x82: {  	s26 =	simm.s32 $0x100;
	v8 =	vor.u32 s24, v0;
	v9 =	vld [tilespmem:s25+$0xFFFFF000]  }
.LBB2_2:
0x83: {  	p0 =	sne.s32 s26, $0x1F80;
	_ =	sdelay $0x3  }
0x84: {  	s2 =	sadd.s32 $0x10, s2;
	[tilespmem:v8+s29+$0x0] =	vst.idx.msk $0xffff, v9  }
0x85: {  	v9 =	vld [tilespmem:s2+$0xFFFFF000];
	_ =	sdelay $0x4  }
0x86: {  	[tilespmem:v8+s30+$0x0] =	vst.idx.msk $0xffff, v9  }
0x87: {  	v9 =	vor.u32 s24, v1;
	v8 =	vld [tilespmem:s25+$0xFFFFF400];
	_ =	sdelay $0x4  }
0x88: {  	[tilespmem:v9+s29+$0x0] =	vst.idx.msk $0xffff, v8  }
0x89: {  	v8 =	vld [tilespmem:s2+$0xFFFFF400];
	_ =	sdelay $0x4  }
0x8a: {  	[tilespmem:v9+s30+$0x0] =	vst.idx.msk $0xffff, v8  }
0x8b: {  	v9 =	vor.u32 s24, v2;
	v8 =	vld [tilespmem:s25+$0xFFFFF800];
	_ =	sdelay $0x4  }
0x8c: {  	[tilespmem:v9+s29+$0x0] =	vst.idx.msk $0xffff, v8  }
0x8d: {  	v8 =	vld [tilespmem:s2+$0xFFFFF800];
	_ =	sdelay $0x4  }
0x8e: {  	[tilespmem:v9+s30+$0x0] =	vst.idx.msk $0xffff, v8  }
0x8f: {  	v9 =	vor.u32 s24, v3;
	v8 =	vld [tilespmem:s25+$0xFFFFFC00];
	_ =	sdelay $0x4  }
0x90: {  	[tilespmem:v9+s29+$0x0] =	vst.idx.msk $0xffff, v8  }
0x91: {  	v8 =	vld [tilespmem:s2+$0xFFFFFC00];
	_ =	sdelay $0x4  }
0x92: {  	[tilespmem:v9+s30+$0x0] =	vst.idx.msk $0xffff, v8  }
0x93: {  	v9 =	vor.u32 s24, v4;
	v8 =	vld [tilespmem:s25+$0x0];
	_ =	sdelay $0x4  }
0x94: {  	[tilespmem:v9+s29+$0x0] =	vst.idx.msk $0xffff, v8  }
0x95: {  	v8 =	vld [tilespmem:s2+$0x0];
	_ =	sdelay $0x4  }
0x96: {  	[tilespmem:v9+s30+$0x0] =	vst.idx.msk $0xffff, v8  }
0x97: {  	v9 =	vor.u32 s24, v5;
	v8 =	vld [tilespmem:s25+$0x400];
	_ =	sdelay $0x4  }
0x98: {  	[tilespmem:v9+s29+$0x0] =	vst.idx.msk $0xffff, v8  }
0x99: {  	v8 =	vld [tilespmem:s2+$0x400];
	_ =	sdelay $0x4  }
0x9a: {  	[tilespmem:v9+s30+$0x0] =	vst.idx.msk $0xffff, v8  }
0x9b: {  	v9 =	vor.u32 s24, v6;
	v8 =	vld [tilespmem:s25+$0x800];
	_ =	sdelay $0x4  }
0x9c: {  	[tilespmem:v9+s29+$0x0] =	vst.idx.msk $0xffff, v8  }
0x9d: {  	v8 =	vld [tilespmem:s2+$0x800];
	_ =	sdelay $0x4  }
0x9e: {  	[tilespmem:v9+s30+$0x0] =	vst.idx.msk $0xffff, v8  }
0x9f: {  	v9 =	vor.u32 s24, v7;
	s24 =	smov.u32 s26;
	v8 =	vld [tilespmem:s25+$0xC00];
	_ =	sdelay $0x4  }
0xa0: {  	[tilespmem:v9+s29+$0x0] =	vst.idx.msk $0xffff, v8  }
0xa1: {  	v8 =	vld [tilespmem:s2+$0xC00];
	_ =	sdelay $0x1  }
.Ltmp0:
0xa2: {  	(pc) =	sbr.rel @p0 .LBB2_2-.Ltmp0, $3  }
0xa3: {  	_ =	sdelay $0x1  }
0xa4: {  	s25 =	sadd.s32 $0x10, s25;
	[tilespmem:v9+s30+$0x0] =	vst.idx.msk $0xffff, v8  }
0xa5: {  	s26 =	sadd.s32 $0x80, s26;
	v8 =	vor.u32 s24, v0;
	v9 =	vld [tilespmem:s25+$0xFFFFF000]  }
0xa6: {  	_ =	sdelay $0x3  }
0xa7: {  	s2 =	sadd.s32 $0x10, s2;
	[tilespmem:v8+s29+$0x0] =	vst.idx.msk $0xffff, v9  }
0xa8: {  	v9 =	vld [tilespmem:s2+$0xFFFFF000];
	_ =	sdelay $0x4  }
0xa9: {  	[tilespmem:v8+s30+$0x0] =	vst.idx.msk $0xffff, v9  }
0xaa: {  	v57 =	vor.u32 s24, v1;
	v8 =	vld [tilespmem:s25+$0xFFFFF400];
	_ =	sdelay $0x4  }
0xab: {  	[tilespmem:v57+s29+$0x0] =	vst.idx.msk $0xffff, v8  }
0xac: {  	v8 =	vld [tilespmem:s2+$0xFFFFF400];
	_ =	sdelay $0x4  }
0xad: {  	[tilespmem:v57+s30+$0x0] =	vst.idx.msk $0xffff, v8  }
0xae: {  	v58 =	vor.u32 s24, v2;
	v8 =	vld [tilespmem:s25+$0xFFFFF800];
	_ =	sdelay $0x4  }
0xaf: {  	[tilespmem:v58+s29+$0x0] =	vst.idx.msk $0xffff, v8  }
0xb0: {  	v8 =	vld [tilespmem:s2+$0xFFFFF800];
	_ =	sdelay $0x4  }
0xb1: {  	[tilespmem:v58+s30+$0x0] =	vst.idx.msk $0xffff, v8  }
0xb2: {  	v59 =	vor.u32 s24, v3;
	v8 =	vld [tilespmem:s25+$0xFFFFFC00];
	_ =	sdelay $0x4  }
0xb3: {  	[tilespmem:v59+s29+$0x0] =	vst.idx.msk $0xffff, v8  }
0xb4: {  	v8 =	vld [tilespmem:s2+$0xFFFFFC00];
	_ =	sdelay $0x4  }
0xb5: {  	[tilespmem:v59+s30+$0x0] =	vst.idx.msk $0xffff, v8  }
0xb6: {  	v60 =	vor.u32 s24, v4;
	v8 =	vld [tilespmem:s25+$0x0];
	_ =	sdelay $0x4  }
0xb7: {  	[tilespmem:v60+s29+$0x0] =	vst.idx.msk $0xffff, v8  }
0xb8: {  	v8 =	vld [tilespmem:s2+$0x0];
	_ =	sdelay $0x4  }
0xb9: {  	[tilespmem:v60+s30+$0x0] =	vst.idx.msk $0xffff, v8  }
0xba: {  	v61 =	vor.u32 s24, v5;
	v8 =	vld [tilespmem:s25+$0x400];
	_ =	sdelay $0x4  }
0xbb: {  	[tilespmem:v61+s29+$0x0] =	vst.idx.msk $0xffff, v8  }
0xbc: {  	v8 =	vld [tilespmem:s2+$0x400];
	_ =	sdelay $0x4  }
0xbd: {  	[tilespmem:v61+s30+$0x0] =	vst.idx.msk $0xffff, v8  }
0xbe: {  	v62 =	vor.u32 s24, v6;
	v8 =	vld [tilespmem:s25+$0x800];
	_ =	sdelay $0x4  }
0xbf: {  	[tilespmem:v62+s29+$0x0] =	vst.idx.msk $0xffff, v8  }
0xc0: {  	v8 =	vld [tilespmem:s2+$0x800];
	_ =	sdelay $0x4  }
0xc1: {  	[tilespmem:v62+s30+$0x0] =	vst.idx.msk $0xffff, v8  }
0xc2: {  	v63 =	vor.u32 s24, v7;
	v8 =	vld [tilespmem:s25+$0xC00];
	_ =	sdelay $0x4  }
0xc3: {  	[tilespmem:v63+s29+$0x0] =	vst.idx.msk $0xffff, v8  }
0xc4: {  	v8 =	vld [tilespmem:s2+$0xC00];
	_ =	sdelay $0x4  }
0xc5: {  	[tilespmem:v63+s30+$0x0] =	vst.idx.msk $0xffff, v8  }
0xc6: {  	[hbm4b:s19+s1] =	stream.linear.scatter [tilespmem:s29], [sflag:$0x2], $0x2000, $0x38;
	[tilespmem:$0x8000] =	vst v63  }
0xc7: {  	s0 =	sadd.s32 $0x1, s0;
	_ =	swait.ge [sflag:s31], $0x2000  }
0xc8: {  	p0 =	sne.s32 s0, s21;
	[sflag:s31] =	ssyncset.done $0x0  }
.Ltmp1:
0xc9: {  	[sflag:s31] =	ssyncadd.s32 $0xFFFFE000;
	(pc) =	sbr.rel @p0 .LBB2_1-.Ltmp1, $4  }
0xca: {  	[hbm4b:s20+s1] =	stream.linear.scatter [tilespmem:s30], [sflag:$0x2], $0x2000, $0x38;
	[tilespmem:$0x8000] =	vst v63  }
0xcb: {  	_ =	swait.ge [sflag:s31], $0x2000  }
0xcc: {  	[sflag:s31] =	ssyncset.done $0x0  }
0xcd: {  	[sflag:s31] =	ssyncadd.s32 $0xFFFFE000  }
0xce: {  	_ =	sfence.sel $0x180000  }
0xcf: {  	[bflag:$0x0] =	sbarrier.arrive $0xFFFF  }
0xd0: {  	_ =	strace $0x90000047  }
0xd1: {  	s0 =	stileid.u32;
	[bflag:$0x2] =	sbarrier.arrive $0xFFFF  }
0xd2: {  	p0 =	sne.s32 s0, $0x0;
	s0 =	rddreg [dreg:$0x3]  }
0xd3: {  	s0 =	sadd.s32 @!p0 $0x100000, s0  }
0xd4: {  	[sflag:s0] =	ssyncadd.tile.s32 @!p0 $0x1;
	_ =	shalt  }
.Lfunc_end2:
_tile_overlayer_lowered:
.L_overlay_start_2:
0xd5: {  	(tag) =	ssettag $0x2  }
0xd6: {  	s0 =	rddreg [dreg:$0x0];
	s2 =	stileid.u32  }
0xd7: {  	s1 =	rddreg [dreg:$0x1];
	p0 =	sne.s32 s2, $0x0  }
0xd8: {  	s3 =	rddreg [dreg:$0x2];
	[bflag:$0x3] =	sbarrier.arrive $0xFFFF;
	s2 =	simm.s32 @!p0 $0x1C02  }
0xd9: {  	[timem:s3], [sflag:s2] =	dma.local @!p0 [hbm:s0], s1  }
0xda: {  	s0 =	simm.s32 @!p0 $0x2  }
0xdb: {  	_ =	swait.ge @!p0 [sflag:s0], s1  }
0xdc: {  	s1 =	ssub.s32 @!p0 $0x0, s1;
	[sflag:s0] =	ssyncset.done @!p0 $0x0  }
0xdd: {  	[sflag:s0] =	ssyncadd.s32 @!p0 s1  }
0xde: {  	[bflag:$0x3] =	sbarrier.arrive $0xFFFF  }
0xdf: {  	_ =	shalt  }

</sc_bundles>
